<compile_context>
chip_gen: v7x
topology: tpu7x:2x2x1
jax: 0.10.2.dev20260603
libtpu: 0.0.44.dev20260713+nightly
codegen_flags: <defaults>
</compile_context>

<pallas_src>
import functools

import jax
import jax.numpy as jnp
from jax import lax
from jax.experimental import pallas as pl
from jax.experimental.pallas import tpu as pltpu
from jax.experimental.pallas import tpu_sc as plsc

_VOCAB = 100000
_HID = 128
_MAXPOS = 512
_NU = 4
_UD = 16
_B = 1024
_LW = 200
_ROWS = _B * _LW
_NC = 2
_NS = 16
_NW = _NC * _NS
_CH = 128
_HB = _B // 2
_HROWS = _HB * _LW
_WPH = _HROWS // _NW
_TPH = _NU * _HB // _NW


def _make_sc_half_body(h):
    def body(tbl, wids, tidx, fmt0, fmt1, fmt2, fmt3,
             word_out, tab_out, idx_v, rows_v, tidx_v, trows_v, sem):
        c = lax.axis_index("c")
        s = lax.axis_index("s")
        wid = s * _NC + c
        base = wid * _WPH
        j_mine = 2 * c + s // 8
        k = s % 8

        def chunk(i, carry):
            off = pl.multiple_of(base + i * _CH, _CH)
            src = pl.multiple_of(h * _HROWS + base + i * _CH, _CH)
            pltpu.sync_copy(wids.at[pl.ds(src, _CH)], idx_v)
            pltpu.async_copy(tbl.at[idx_v], rows_v, sem).wait()
            pltpu.sync_copy(rows_v, word_out.at[pl.ds(off, _CH)])
            return carry

        lax.fori_loop(0, _WPH // _CH, chunk, 0)

        tdst = pl.multiple_of((j_mine * (_NW // _NU) + k) * _TPH, _TPH)
        tsrc = pl.multiple_of(j_mine * _B + h * _HB + k * _TPH, _TPH)
        pltpu.sync_copy(tidx.at[pl.ds(tsrc, _TPH)], tidx_v)
        for j, fmt in enumerate((fmt0, fmt1, fmt2, fmt3)):
            @pl.when(j_mine == j)
            def _(fmt=fmt):
                pltpu.async_copy(fmt.at[tidx_v], trows_v, sem).wait()
        pltpu.sync_copy(trows_v, tab_out.at[pl.ds(tdst, _TPH)])
    return body


def _sc_gather_half(h, word_table, wids_flat, tab_widx, fmts):
    mesh = plsc.VectorSubcoreMesh(core_axis_name="c", subcore_axis_name="s")
    return pl.kernel(
        _make_sc_half_body(h),
        out_type=(
            jax.ShapeDtypeStruct((_HROWS, _HID), jnp.float32),
            jax.ShapeDtypeStruct((_NU * _HB, _HID), jnp.float32),
        ),
        mesh=mesh,
        scratch_types=[
            pltpu.VMEM((_CH,), jnp.int32),
            pltpu.VMEM((_CH, _HID), jnp.float32),
            pltpu.VMEM((_TPH,), jnp.int32),
            pltpu.VMEM((_TPH, _HID), jnp.float32),
            pltpu.SemaphoreType.DMA,
        ],
    )(word_table, wids_flat, tab_widx, *fmts)


_BS = 16


def _tc_body(word_ref, age_ref, posi_ref, year_ref, tab_ref, toff_ref,
             age_t_ref, posi_t_ref, year_t_ref, wt_ref, b_ref,
             g_ref, bt_ref, out_ref):
    r = _BS * _LW
    wa = word_ref[...]

    def emb(ids2, tbl_ref):
        v = tbl_ref.shape[0] // 2
        oh3 = (ids2[:, :, None]
               == lax.broadcasted_iota(jnp.int32, (_BS, _LW, v), 2))
        oh = oh3.astype(jnp.bfloat16).reshape(r, v)
        hi = lax.dot(oh, tbl_ref[:v], preferred_element_type=jnp.float32)
        lo = lax.dot(oh, tbl_ref[v:], preferred_element_type=jnp.float32)
        return hi + lo

    s = (wa
         + emb(age_ref[...], age_t_ref)
         + emb(year_ref[...], year_t_ref)
         + emb(posi_ref[...], posi_t_ref))

    acc = jnp.broadcast_to(b_ref[...].reshape(1, _HID), (_BS, _HID))
    for j in range(_NU):
        wide = tab_ref[j]
        off = toff_ref[:, j]
        sel = jnp.zeros((_BS, _UD), jnp.float32)
        for k in range(_HID // _UD):
            m = (off == k).astype(jnp.float32)[:, None]
            sel = sel + m * wide[:, k * _UD:(k + 1) * _UD]
        acc = acc + lax.dot(sel, wt_ref[pl.ds(j * _UD, _UD), :],
                            preferred_element_type=jnp.float32)

    full = jnp.concatenate([acc[:, None, :], s.reshape(_BS, _LW, _HID)],
                           axis=1)
    mu = jnp.mean(full, axis=-1, keepdims=True)
    var = jnp.mean((full - mu) ** 2, axis=-1, keepdims=True)
    gam = g_ref[...].reshape(1, 1, _HID)
    bet = bt_ref[...].reshape(1, 1, _HID)
    out_ref[...] = (full - mu) * lax.rsqrt(var + 1e-12) * gam + bet


def _tc_body_h1(word_ref, age_ref, posi_ref, year_ref, tab_ref, toff_ref,
                age_t_ref, posi_t_ref, year_t_ref, wt_ref, b_ref,
                g_ref, bt_ref, prev_ref, out_ref):
    del prev_ref
    _tc_body(word_ref, age_ref, posi_ref, year_ref, tab_ref, toff_ref,
             age_t_ref, posi_t_ref, year_t_ref, wt_ref, b_ref,
             g_ref, bt_ref, out_ref)


def _tc_finish(h, word_rows, age_ids, posi_ids, year_ids, tab3, toff,
               age_table, posi_table, year_table, Wt, b2, g2, bt2,
               prev=None):
    grid = (_HB // _BS,)
    hb = h * (_HB // _BS)
    in_specs = [
        pl.BlockSpec((_BS * _LW, _HID), lambda i: (i, 0)),
        pl.BlockSpec((_BS, _LW), lambda i: (i + hb, 0)),
        pl.BlockSpec((_BS, _LW), lambda i: (i + hb, 0)),
        pl.BlockSpec((_BS, _LW), lambda i: (i + hb, 0)),
        pl.BlockSpec((_NU, _BS, _HID), lambda i: (0, i, 0)),
        pl.BlockSpec((_BS, _NU), lambda i: (i + hb, 0)),
        pl.BlockSpec((256, _HID), lambda i: (0, 0)),
        pl.BlockSpec((512, _HID), lambda i: (0, 0)),
        pl.BlockSpec((256, _HID), lambda i: (0, 0)),
        pl.BlockSpec((_NU * _UD, _HID), lambda i: (0, 0)),
        pl.BlockSpec((1, _HID), lambda i: (0, 0)),
        pl.BlockSpec((1, _HID), lambda i: (0, 0)),
        pl.BlockSpec((1, _HID), lambda i: (0, 0)),
    ]
    args = [word_rows, age_ids, posi_ids, year_ids, tab3, toff,
            age_table, posi_table, year_table, Wt, b2, g2, bt2]
    kwargs = {}
    body = _tc_body
    if prev is not None:
        in_specs.append(pl.BlockSpec(memory_space=pl.ANY))
        args.append(prev)
        kwargs["input_output_aliases"] = {13: 0}
        body = _tc_body_h1
    return pl.pallas_call(
        body,
        grid=grid,
        in_specs=in_specs,
        out_specs=pl.BlockSpec((_BS, _LW + 1, _HID),
                               lambda i: (i + hb, 0, 0)),
        out_shape=jax.ShapeDtypeStruct((_B, _LW + 1, _HID), jnp.float32),
        **kwargs,
    )(*args)


def kernel(word_ids, age_ids, seg_ids, posi_ids, year_ids, word_table,
           age_table, posi_table, year_table, unsup0, unsup1, unsup2,
           unsup3, W, b, gamma, beta):
    del seg_ids
    wids_flat = word_ids[:, _NU:].reshape(-1).astype(jnp.int32)
    tab_idx = word_ids[:, :_NU].astype(jnp.int32).T.reshape(-1)
    pack = _HID // _UD
    tab_widx = tab_idx // pack
    toff = (tab_idx % pack).reshape(_NU, _B).T

    fmts = tuple(u.reshape(-1, _HID)
                 for u in (unsup0, unsup1, unsup2, unsup3))
    w0, t0 = _sc_gather_half(0, word_table, wids_flat, tab_widx, fmts)
    w1, t1 = _sc_gather_half(1, word_table, wids_flat, tab_widx, fmts)

    def hilo(t):
        hi = t.astype(jnp.bfloat16)
        lo = (t - hi.astype(jnp.float32)).astype(jnp.bfloat16)
        return jnp.concatenate([hi, lo], axis=0)

    ids = (age_ids.astype(jnp.int32), posi_ids.astype(jnp.int32),
           year_ids.astype(jnp.int32))
    tabs = (hilo(age_table), hilo(posi_table[:256]), hilo(year_table))
    rest = (W.T, b.reshape(1, _HID), gamma.reshape(1, _HID),
            beta.reshape(1, _HID))

    out0 = _tc_finish(0, w0, *ids, t0.reshape(_NU, _HB, _HID), toff,
                      *tabs, *rest)
    return _tc_finish(1, w1, *ids, t1.reshape(_NU, _HB, _HID), toff,
                      *tabs, *rest, prev=out0)

# --- scband reference (transcript-rebuilt; emitter-appended) ---
"""Pipeline reference for scband-bert-embeddings-unsup-45535243272777 (READ-ONLY COPY).

The authoritative reference and input builder live on the scoring server;
editing this copy changes nothing except your own understanding.
"""

import jax, jax.numpy as jnp
import numpy as np

VOCAB = 100000
HID = 128
AGE_V = 128
YEAR_V = 128
MAXPOS = 512
N_UNSUP = 4
UNSUP_V = 100000
UNSUP_D = 16
B = 1024
LW = 200


def _posi_table():
    pos = np.arange(MAXPOS, dtype=np.float32)[:, None]
    idx = np.arange(HID, dtype=np.float32)[None, :]
    ang = pos / np.power(10000.0, 2.0 * idx / HID)
    even = (np.arange(HID)[None, :] % 2) == 0
    tab = np.where(even, np.sin(ang), np.cos(ang)).astype(np.float32)
    return jnp.asarray(tab)


def setup_inputs(seed: int = 0) -> dict:
    key = jax.random.key(seed)
    ks = jax.random.split(key, 16)
    word_ids = jax.random.randint(ks[0], (B, LW + N_UNSUP), 0, VOCAB)
    age_ids = jax.random.randint(ks[1], (B, LW), 0, AGE_V)
    seg_ids = jnp.zeros((B, LW), dtype=jnp.int32)
    posi_ids = jax.random.randint(ks[2], (B, LW), 0, LW)
    year_ids = jax.random.randint(ks[3], (B, LW), 0, YEAR_V)
    word_table = jax.random.normal(ks[4], (VOCAB, HID), jnp.float32) * 0.02
    age_table = jax.random.normal(ks[5], (AGE_V, HID), jnp.float32) * 0.02
    year_table = jax.random.normal(ks[6], (YEAR_V, HID), jnp.float32) * 0.02
    posi_table = _posi_table()
    unsup0 = jax.random.normal(ks[7], (UNSUP_V, UNSUP_D), jnp.float32) * 0.02
    unsup1 = jax.random.normal(ks[8], (UNSUP_V, UNSUP_D), jnp.float32) * 0.02
    unsup2 = jax.random.normal(ks[9], (UNSUP_V, UNSUP_D), jnp.float32) * 0.02
    unsup3 = jax.random.normal(ks[10], (UNSUP_V, UNSUP_D), jnp.float32) * 0.02
    W = jax.random.normal(ks[11], (HID, N_UNSUP * UNSUP_D), jnp.float32) * 0.02
    b = jnp.zeros((HID,), jnp.float32)
    gamma = jnp.ones((HID,), jnp.float32)
    beta = jnp.zeros((HID,), jnp.float32)
    return {"word_ids": word_ids, "age_ids": age_ids, "seg_ids": seg_ids, "posi_ids": posi_ids, "year_ids": year_ids, "word_table": word_table, "age_table": age_table, "posi_table": posi_table, "year_table": year_table, "unsup0": unsup0, "unsup1": unsup1, "unsup2": unsup2, "unsup3": unsup3, "W": W, "b": b, "gamma": gamma, "beta": beta}


def reference(word_ids, age_ids, seg_ids, posi_ids, year_ids, word_table, age_table, posi_table, year_table, unsup0, unsup1, unsup2, unsup3, W, b, gamma, beta):
    tab = word_ids[:, :N_UNSUP]
    wids = word_ids[:, N_UNSUP:]
    word_embed = jnp.take(word_table, wids, axis=0)
    age_embed = jnp.take(age_table, age_ids, axis=0)
    posi_embed = jnp.take(posi_table, posi_ids, axis=0)
    year_embed = jnp.take(year_table, year_ids, axis=0)
    tabT = tab.T
    tab_embed = jnp.concatenate([
        jnp.take(unsup0, tabT[0], axis=0),
        jnp.take(unsup1, tabT[1], axis=0),
        jnp.take(unsup2, tabT[2], axis=0),
        jnp.take(unsup3, tabT[3], axis=0),
    ], axis=1)
    tab_lin = (tab_embed @ W.T + b)[:, None, :]
    emb = word_embed + age_embed + year_embed + posi_embed
    emb = jnp.concatenate([tab_lin, emb], axis=1)
    mu = jnp.mean(emb, axis=-1, keepdims=True)
    var = jnp.mean((emb - mu) ** 2, axis=-1, keepdims=True)
    out = (emb - mu) / jnp.sqrt(var + 1e-12) * gamma + beta
    return out

if __name__ == "__main__":
    import jax
    _d = setup_inputs()
    print(jax.jit(kernel)(*tuple(_d.values())))

</pallas_src>

<mosaic_0001>
#map = affine_map<(d0, d1) -> (0, 0)>
#map1 = affine_map<(d0, d1) -> (0)>
module attributes {stable_mosaic.version = 14 : i64} {
  func.func @body(%arg0: i32, %arg1: i32, %arg2: memref<100000x128xf32, #tpu.memory_space<hbm>>, %arg3: memref<204800xi32, #tpu.memory_space<hbm>>, %arg4: memref<4096xi32, #tpu.memory_space<hbm>>, %arg5: memref<12500x128xf32, #tpu.memory_space<hbm>>, %arg6: memref<12500x128xf32, #tpu.memory_space<hbm>>, %arg7: memref<12500x128xf32, #tpu.memory_space<hbm>>, %arg8: memref<12500x128xf32, #tpu.memory_space<hbm>>, %arg9: memref<102400x128xf32, #tpu.memory_space<hbm>>, %arg10: memref<2048x128xf32, #tpu.memory_space<hbm>>, %arg11: memref<128xi32, #tpu.memory_space<vmem>>, %arg12: memref<128x128xf32, #tpu.memory_space<vmem>>, %arg13: memref<64xi32, #tpu.memory_space<vmem>>, %arg14: memref<64x128xf32, #tpu.memory_space<vmem>>, %arg15: memref<!tpu.dma_semaphore, #tpu.memory_space<semaphore_mem>>) attributes {dimension_semantics = [#tpu.dimension_semantics<core_parallel>, #tpu.dimension_semantics<subcore_parallel>], iteration_bounds = array<i64: 2, 16>, scalar_prefetch = 0 : i64, scratch_operands = 5 : i64, tpu.core_type = #tpu.core_type<sc_vector_subcore>, window_params = [{transform_indices = #map}, {transform_indices = #map1}, {transform_indices = #map1}, {transform_indices = #map}, {transform_indices = #map}, {transform_indices = #map}, {transform_indices = #map}, {transform_indices = #map}, {transform_indices = #map}]} {
    %mul3A = arith.constant 2 : i32
    %mul3A_0 = arith.muli %arg1, %mul3A : i32
    %add3A = arith.addi %mul3A_0, %arg0 : i32
    %mul3A_1 = arith.constant 3200 : i32
    %mul3A_2 = arith.muli %add3A, %mul3A_1 : i32
    %mul3A_3 = arith.constant 2 : i32
    %mul3A_4 = arith.muli %mul3A_3, %arg0 : i32
    %jit3A = arith.constant 8 : i32
    %div3A = arith.divsi %arg1, %jit3A : i32
    %sign3A = arith.constant 0 : i32
    %sign3A_5 = arith.cmpi sgt, %arg1, %sign3A : i32
    %sign3A_6 = arith.extui %sign3A_5 : i1 to i32
    %sign3A_7 = arith.constant 0 : i32
    %sign3A_8 = arith.cmpi slt, %arg1, %sign3A_7 : i32
    %sign3A_9 = arith.extui %sign3A_8 : i1 to i32
    %sign3A_10 = arith.subi %sign3A_6, %sign3A_9 : i32
    %sign3A_11 = arith.constant 0 : i32
    %sign3A_12 = arith.cmpi sgt, %jit3A, %sign3A_11 : i32
    %sign3A_13 = arith.extui %sign3A_12 : i1 to i32
    %sign3A_14 = arith.constant 0 : i32
    %sign3A_15 = arith.cmpi slt, %jit3A, %sign3A_14 : i32
    %sign3A_16 = arith.extui %sign3A_15 : i1 to i32
    %sign3A_17 = arith.subi %sign3A_13, %sign3A_16 : i32
    %ne3A = arith.cmpi ne, %sign3A_10, %sign3A_17 : i32
    %rem3A = arith.remsi %arg1, %jit3A : i32
    %ne3A_18 = arith.constant 0 : i32
    %ne3A_19 = arith.cmpi ne, %rem3A, %ne3A_18 : i32
    %and3A = arith.andi %ne3A, %ne3A_19 : i1
    %sub3A = arith.constant 1 : i32
    %sub3A_20 = arith.subi %div3A, %sub3A : i32
    %select_n3A = arith.select %and3A, %sub3A_20, %div3A : i32
    %add3A_21 = arith.addi %mul3A_4, %select_n3A : i32
    %jit3A_22 = arith.constant 8 : i32
    %eq3A = arith.constant 0 : i32
    %eq3A_23 = arith.cmpi eq, %jit3A_22, %eq3A : i32
    %jit3A_24 = arith.constant 1 : i32
    %select_n3A_25 = arith.select %eq3A_23, %jit3A_24, %jit3A_22 : i32
    %rem3A_26 = arith.remsi %arg1, %select_n3A_25 : i32
    %ne3A_27 = arith.constant 0 : i32
    %ne3A_28 = arith.cmpi ne, %rem3A_26, %ne3A_27 : i32
    %lt3A = arith.constant 0 : i32
    %lt3A_29 = arith.cmpi slt, %rem3A_26, %lt3A : i32
    %lt3A_30 = arith.constant 0 : i32
    %lt3A_31 = arith.cmpi slt, %select_n3A_25, %lt3A_30 : i32
    %ne3A_32 = arith.xori %lt3A_29, %lt3A_31 : i1
    %and3A_33 = arith.andi %ne3A_32, %ne3A_28 : i1
    %add3A_34 = arith.addi %rem3A_26, %select_n3A_25 : i32
    %select_n3A_35 = arith.select %and3A_33, %add3A_34, %rem3A_26 : i32
    %scan3A = arith.constant 0 : i32
    %scan3A_36 = arith.constant 0 : i32
    %scan3A_37 = arith.constant 25 : i32
    %scan3A_38 = arith.addi %scan3A_36, %scan3A_37 : i32
    %scan3A_39 = arith.constant 1 : i32
    scf.for %scan3A_72 = %scan3A_36 to %scan3A_38 step %scan3A_39  : i32 {
      %mul3A_73 = arith.constant 128 : i32
      %mul3A_74 = arith.muli %scan3A_72, %mul3A_73 : i32
      %add3A_75 = arith.addi %mul3A_2, %mul3A_74 : i32
      %multiple_of3A_76 = tpu.assume_multiple %add3A_75, 128 : i32
      %add3A_77 = arith.constant 102400 : i32
      %add3A_78 = arith.addi %add3A_77, %mul3A_2 : i32
      %mul3A_79 = arith.constant 128 : i32
      %mul3A_80 = arith.muli %scan3A_72, %mul3A_79 : i32
      %add3A_81 = arith.addi %add3A_78, %mul3A_80 : i32
      %multiple_of3A_82 = tpu.assume_multiple %add3A_81, 128 : i32
      "tpu.region"() ({
        %run_scoped3A = tpu.sem_alloc : memref<!tpu.dma_semaphore, #tpu.memory_space<semaphore_mem>>
        %dma_start3A_87 = tpu.memref_slice %arg3[%multiple_of3A_82] : memref<204800xi32, #tpu.memory_space<hbm>> -> memref<128xi32, #tpu.memory_space<hbm>>
        %dma_start3A_88 = tpu.memref_slice %arg3[%multiple_of3A_82] : memref<204800xi32, #tpu.memory_space<hbm>> -> memref<128xi32, #tpu.memory_space<hbm>>
        tpu.enqueue_dma source(%dma_start3A_88 : memref<128xi32, #tpu.memory_space<hbm>>) target(%arg11 : memref<128xi32, #tpu.memory_space<vmem>>) target_semaphore(%run_scoped3A : memref<!tpu.dma_semaphore, #tpu.memory_space<semaphore_mem>>)
        %dma_wait3A_89 = tpu.memref_slice %arg3[%multiple_of3A_82] : memref<204800xi32, #tpu.memory_space<hbm>> -> memref<128xi32, #tpu.memory_space<hbm>>
        %dma_wait3A_90 = tpu.memref_slice %arg3[%multiple_of3A_82] : memref<204800xi32, #tpu.memory_space<hbm>> -> memref<128xi32, #tpu.memory_space<hbm>>
        tpu.wait_dma2 semaphore(%run_scoped3A : memref<!tpu.dma_semaphore, #tpu.memory_space<semaphore_mem>>) src(%dma_wait3A_90 : memref<128xi32, #tpu.memory_space<hbm>>) dst(%arg11 : memref<128xi32, #tpu.memory_space<vmem>>)
        tpu.yield
      }) : () -> ()
      %dma_start3A = arith.constant 0 : i32
      %dma_start3A_83 = arith.constant 0 : i32
      %dma_start3A_84 = tpu.memref_slice %arg2[%dma_start3A, %dma_start3A_83] : memref<100000x128xf32, #tpu.memory_space<hbm>> -> memref<100000x128xf32, #tpu.memory_space<hbm>>
      tpu.enqueue_indirect_dma source(%dma_start3A_84 : memref<100000x128xf32, #tpu.memory_space<hbm>>) target(%arg12 : memref<128x128xf32, #tpu.memory_space<vmem>>) offsets(%arg11 : memref<128xi32, #tpu.memory_space<vmem>>) semaphore(%arg15 : memref<!tpu.dma_semaphore, #tpu.memory_space<semaphore_mem>>)
      %dma_wait3A = arith.constant 0 : i32
      %dma_wait3A_85 = arith.constant 0 : i32
      %dma_wait3A_86 = tpu.memref_slice %arg2[%dma_wait3A, %dma_wait3A_85] : memref<100000x128xf32, #tpu.memory_space<hbm>> -> memref<100000x128xf32, #tpu.memory_space<hbm>>
      tpu.wait_indirect_dma semaphore(%arg15 : memref<!tpu.dma_semaphore, #tpu.memory_space<semaphore_mem>>) src(%dma_wait3A_86 : memref<100000x128xf32, #tpu.memory_space<hbm>>) dst(%arg12 : memref<128x128xf32, #tpu.memory_space<vmem>>)
      "tpu.region"() ({
        %run_scoped3A = tpu.sem_alloc : memref<!tpu.dma_semaphore, #tpu.memory_space<semaphore_mem>>
        %dma_start3A_87 = arith.constant 0 : i32
        %dma_start3A_88 = tpu.memref_slice %arg9[%multiple_of3A_76, %dma_start3A_87] : memref<102400x128xf32, #tpu.memory_space<hbm>> -> memref<128x128xf32, #tpu.memory_space<hbm>>
        %dma_start3A_89 = arith.constant 0 : i32
        %dma_start3A_90 = tpu.memref_slice %arg9[%multiple_of3A_76, %dma_start3A_89] : memref<102400x128xf32, #tpu.memory_space<hbm>> -> memref<128x128xf32, #tpu.memory_space<hbm>>
        tpu.enqueue_dma source(%arg12 : memref<128x128xf32, #tpu.memory_space<vmem>>) target(%dma_start3A_90 : memref<128x128xf32, #tpu.memory_space<hbm>>) target_semaphore(%run_scoped3A : memref<!tpu.dma_semaphore, #tpu.memory_space<semaphore_mem>>)
        %dma_wait3A_91 = arith.constant 0 : i32
        %dma_wait3A_92 = tpu.memref_slice %arg9[%multiple_of3A_76, %dma_wait3A_91] : memref<102400x128xf32, #tpu.memory_space<hbm>> -> memref<128x128xf32, #tpu.memory_space<hbm>>
        %dma_wait3A_93 = arith.constant 0 : i32
        %dma_wait3A_94 = tpu.memref_slice %arg9[%multiple_of3A_76, %dma_wait3A_93] : memref<102400x128xf32, #tpu.memory_space<hbm>> -> memref<128x128xf32, #tpu.memory_space<hbm>>
        tpu.wait_dma2 semaphore(%run_scoped3A : memref<!tpu.dma_semaphore, #tpu.memory_space<semaphore_mem>>) src(%arg12 : memref<128x128xf32, #tpu.memory_space<vmem>>) dst(%dma_wait3A_94 : memref<128x128xf32, #tpu.memory_space<hbm>>)
        tpu.yield
      }) : () -> ()
    }
    %scan3A_40 = arith.constant 25 : i32
    %mul3A_41 = arith.constant 8 : i32
    %mul3A_42 = arith.muli %add3A_21, %mul3A_41 : i32
    %add3A_43 = arith.addi %mul3A_42, %select_n3A_35 : i32
    %mul3A_44 = arith.constant 64 : i32
    %mul3A_45 = arith.muli %add3A_43, %mul3A_44 : i32
    %multiple_of3A = tpu.assume_multiple %mul3A_45, 64 : i32
    %mul3A_46 = arith.constant 1024 : i32
    %mul3A_47 = arith.muli %add3A_21, %mul3A_46 : i32
    %add3A_48 = arith.constant 512 : i32
    %add3A_49 = arith.addi %mul3A_47, %add3A_48 : i32
    %mul3A_50 = arith.constant 64 : i32
    %mul3A_51 = arith.muli %select_n3A_35, %mul3A_50 : i32
    %add3A_52 = arith.addi %add3A_49, %mul3A_51 : i32
    %multiple_of3A_53 = tpu.assume_multiple %add3A_52, 64 : i32
    "tpu.region"() ({
      %run_scoped3A = tpu.sem_alloc : memref<!tpu.dma_semaphore, #tpu.memory_space<semaphore_mem>>
      %dma_start3A = tpu.memref_slice %arg4[%multiple_of3A_53] : memref<4096xi32, #tpu.memory_space<hbm>> -> memref<64xi32, #tpu.memory_space<hbm>>
      %dma_start3A_72 = tpu.memref_slice %arg4[%multiple_of3A_53] : memref<4096xi32, #tpu.memory_space<hbm>> -> memref<64xi32, #tpu.memory_space<hbm>>
      tpu.enqueue_dma source(%dma_start3A_72 : memref<64xi32, #tpu.memory_space<hbm>>) target(%arg13 : memref<64xi32, #tpu.memory_space<vmem>>) target_semaphore(%run_scoped3A : memref<!tpu.dma_semaphore, #tpu.memory_space<semaphore_mem>>)
      %dma_wait3A = tpu.memref_slice %arg4[%multiple_of3A_53] : memref<4096xi32, #tpu.memory_space<hbm>> -> memref<64xi32, #tpu.memory_space<hbm>>
      %dma_wait3A_73 = tpu.memref_slice %arg4[%multiple_of3A_53] : memref<4096xi32, #tpu.memory_space<hbm>> -> memref<64xi32, #tpu.memory_space<hbm>>
      tpu.wait_dma2 semaphore(%run_scoped3A : memref<!tpu.dma_semaphore, #tpu.memory_space<semaphore_mem>>) src(%dma_wait3A_73 : memref<64xi32, #tpu.memory_space<hbm>>) dst(%arg13 : memref<64xi32, #tpu.memory_space<vmem>>)
      tpu.yield
    }) : () -> ()
    %eq3A_54 = arith.constant 0 : i32
    %eq3A_55 = arith.cmpi eq, %add3A_21, %eq3A_54 : i32
    %convert_element_type3A = arith.extui %eq3A_55 : i1 to i32
    %cond3A = arith.constant 0 : i32
    %cond3A_56 = arith.cmpi ne, %convert_element_type3A, %cond3A : i32
    scf.if %cond3A_56 {
      %dma_start3A = arith.constant 0 : i32
      %dma_start3A_72 = arith.constant 0 : i32
      %dma_start3A_73 = tpu.memref_slice %arg5[%dma_start3A, %dma_start3A_72] : memref<12500x128xf32, #tpu.memory_space<hbm>> -> memref<12500x128xf32, #tpu.memory_space<hbm>>
      tpu.enqueue_indirect_dma source(%dma_start3A_73 : memref<12500x128xf32, #tpu.memory_space<hbm>>) target(%arg14 : memref<64x128xf32, #tpu.memory_space<vmem>>) offsets(%arg13 : memref<64xi32, #tpu.memory_space<vmem>>) semaphore(%arg15 : memref<!tpu.dma_semaphore, #tpu.memory_space<semaphore_mem>>)
      %dma_wait3A = arith.constant 0 : i32
      %dma_wait3A_74 = arith.constant 0 : i32
      %dma_wait3A_75 = tpu.memref_slice %arg5[%dma_wait3A, %dma_wait3A_74] : memref<12500x128xf32, #tpu.memory_space<hbm>> -> memref<12500x128xf32, #tpu.memory_space<hbm>>
      tpu.wait_indirect_dma semaphore(%arg15 : memref<!tpu.dma_semaphore, #tpu.memory_space<semaphore_mem>>) src(%dma_wait3A_75 : memref<12500x128xf32, #tpu.memory_space<hbm>>) dst(%arg14 : memref<64x128xf32, #tpu.memory_space<vmem>>)
    } else {
    }
    %eq3A_57 = arith.constant 1 : i32
    %eq3A_58 = arith.cmpi eq, %add3A_21, %eq3A_57 : i32
    %convert_element_type3A_59 = arith.extui %eq3A_58 : i1 to i32
    %cond3A_60 = arith.constant 0 : i32
    %cond3A_61 = arith.cmpi ne, %convert_element_type3A_59, %cond3A_60 : i32
    scf.if %cond3A_61 {
      %dma_start3A = arith.constant 0 : i32
      %dma_start3A_72 = arith.constant 0 : i32
      %dma_start3A_73 = tpu.memref_slice %arg6[%dma_start3A, %dma_start3A_72] : memref<12500x128xf32, #tpu.memory_space<hbm>> -> memref<12500x128xf32, #tpu.memory_space<hbm>>
      tpu.enqueue_indirect_dma source(%dma_start3A_73 : memref<12500x128xf32, #tpu.memory_space<hbm>>) target(%arg14 : memref<64x128xf32, #tpu.memory_space<vmem>>) offsets(%arg13 : memref<64xi32, #tpu.memory_space<vmem>>) semaphore(%arg15 : memref<!tpu.dma_semaphore, #tpu.memory_space<semaphore_mem>>)
      %dma_wait3A = arith.constant 0 : i32
      %dma_wait3A_74 = arith.constant 0 : i32
      %dma_wait3A_75 = tpu.memref_slice %arg6[%dma_wait3A, %dma_wait3A_74] : memref<12500x128xf32, #tpu.memory_space<hbm>> -> memref<12500x128xf32, #tpu.memory_space<hbm>>
      tpu.wait_indirect_dma semaphore(%arg15 : memref<!tpu.dma_semaphore, #tpu.memory_space<semaphore_mem>>) src(%dma_wait3A_75 : memref<12500x128xf32, #tpu.memory_space<hbm>>) dst(%arg14 : memref<64x128xf32, #tpu.memory_space<vmem>>)
    } else {
    }
    %eq3A_62 = arith.constant 2 : i32
    %eq3A_63 = arith.cmpi eq, %add3A_21, %eq3A_62 : i32
    %convert_element_type3A_64 = arith.extui %eq3A_63 : i1 to i32
    %cond3A_65 = arith.constant 0 : i32
    %cond3A_66 = arith.cmpi ne, %convert_element_type3A_64, %cond3A_65 : i32
    scf.if %cond3A_66 {
      %dma_start3A = arith.constant 0 : i32
      %dma_start3A_72 = arith.constant 0 : i32
      %dma_start3A_73 = tpu.memref_slice %arg7[%dma_start3A, %dma_start3A_72] : memref<12500x128xf32, #tpu.memory_space<hbm>> -> memref<12500x128xf32, #tpu.memory_space<hbm>>
      tpu.enqueue_indirect_dma source(%dma_start3A_73 : memref<12500x128xf32, #tpu.memory_space<hbm>>) target(%arg14 : memref<64x128xf32, #tpu.memory_space<vmem>>) offsets(%arg13 : memref<64xi32, #tpu.memory_space<vmem>>) semaphore(%arg15 : memref<!tpu.dma_semaphore, #tpu.memory_space<semaphore_mem>>)
      %dma_wait3A = arith.constant 0 : i32
      %dma_wait3A_74 = arith.constant 0 : i32
      %dma_wait3A_75 = tpu.memref_slice %arg7[%dma_wait3A, %dma_wait3A_74] : memref<12500x128xf32, #tpu.memory_space<hbm>> -> memref<12500x128xf32, #tpu.memory_space<hbm>>
      tpu.wait_indirect_dma semaphore(%arg15 : memref<!tpu.dma_semaphore, #tpu.memory_space<semaphore_mem>>) src(%dma_wait3A_75 : memref<12500x128xf32, #tpu.memory_space<hbm>>) dst(%arg14 : memref<64x128xf32, #tpu.memory_space<vmem>>)
    } else {
    }
    %eq3A_67 = arith.constant 3 : i32
    %eq3A_68 = arith.cmpi eq, %add3A_21, %eq3A_67 : i32
    %convert_element_type3A_69 = arith.extui %eq3A_68 : i1 to i32
    %cond3A_70 = arith.constant 0 : i32
    %cond3A_71 = arith.cmpi ne, %convert_element_type3A_69, %cond3A_70 : i32
    scf.if %cond3A_71 {
      %dma_start3A = arith.constant 0 : i32
      %dma_start3A_72 = arith.constant 0 : i32
      %dma_start3A_73 = tpu.memref_slice %arg8[%dma_start3A, %dma_start3A_72] : memref<12500x128xf32, #tpu.memory_space<hbm>> -> memref<12500x128xf32, #tpu.memory_space<hbm>>
      tpu.enqueue_indirect_dma source(%dma_start3A_73 : memref<12500x128xf32, #tpu.memory_space<hbm>>) target(%arg14 : memref<64x128xf32, #tpu.memory_space<vmem>>) offsets(%arg13 : memref<64xi32, #tpu.memory_space<vmem>>) semaphore(%arg15 : memref<!tpu.dma_semaphore, #tpu.memory_space<semaphore_mem>>)
      %dma_wait3A = arith.constant 0 : i32
      %dma_wait3A_74 = arith.constant 0 : i32
      %dma_wait3A_75 = tpu.memref_slice %arg8[%dma_wait3A, %dma_wait3A_74] : memref<12500x128xf32, #tpu.memory_space<hbm>> -> memref<12500x128xf32, #tpu.memory_space<hbm>>
      tpu.wait_indirect_dma semaphore(%arg15 : memref<!tpu.dma_semaphore, #tpu.memory_space<semaphore_mem>>) src(%dma_wait3A_75 : memref<12500x128xf32, #tpu.memory_space<hbm>>) dst(%arg14 : memref<64x128xf32, #tpu.memory_space<vmem>>)
    } else {
    }
    "tpu.region"() ({
      %run_scoped3A = tpu.sem_alloc : memref<!tpu.dma_semaphore, #tpu.memory_space<semaphore_mem>>
      %dma_start3A = arith.constant 0 : i32
      %dma_start3A_72 = tpu.memref_slice %arg10[%multiple_of3A, %dma_start3A] : memref<2048x128xf32, #tpu.memory_space<hbm>> -> memref<64x128xf32, #tpu.memory_space<hbm>>
      %dma_start3A_73 = arith.constant 0 : i32
      %dma_start3A_74 = tpu.memref_slice %arg10[%multiple_of3A, %dma_start3A_73] : memref<2048x128xf32, #tpu.memory_space<hbm>> -> memref<64x128xf32, #tpu.memory_space<hbm>>
      tpu.enqueue_dma source(%arg14 : memref<64x128xf32, #tpu.memory_space<vmem>>) target(%dma_start3A_74 : memref<64x128xf32, #tpu.memory_space<hbm>>) target_semaphore(%run_scoped3A : memref<!tpu.dma_semaphore, #tpu.memory_space<semaphore_mem>>)
      %dma_wait3A = arith.constant 0 : i32
      %dma_wait3A_75 = tpu.memref_slice %arg10[%multiple_of3A, %dma_wait3A] : memref<2048x128xf32, #tpu.memory_space<hbm>> -> memref<64x128xf32, #tpu.memory_space<hbm>>
      %dma_wait3A_76 = arith.constant 0 : i32
      %dma_wait3A_77 = tpu.memref_slice %arg10[%multiple_of3A, %dma_wait3A_76] : memref<2048x128xf32, #tpu.memory_space<hbm>> -> memref<64x128xf32, #tpu.memory_space<hbm>>
      tpu.wait_dma2 semaphore(%run_scoped3A : memref<!tpu.dma_semaphore, #tpu.memory_space<semaphore_mem>>) src(%arg14 : memref<64x128xf32, #tpu.memory_space<vmem>>) dst(%dma_wait3A_77 : memref<64x128xf32, #tpu.memory_space<hbm>>)
      tpu.yield
    }) : () -> ()
    return
  }
}

#map = affine_map<(d0, d1) -> (0, 0)>
#map1 = affine_map<(d0, d1) -> (0)>
module attributes {stable_mosaic.version = 14 : i64} {
  func.func @body(%arg0: i32, %arg1: i32, %arg2: memref<100000x128xf32, #tpu.memory_space<hbm>>, %arg3: memref<204800xi32, #tpu.memory_space<hbm>>, %arg4: memref<4096xi32, #tpu.memory_space<hbm>>, %arg5: memref<12500x128xf32, #tpu.memory_space<hbm>>, %arg6: memref<12500x128xf32, #tpu.memory_space<hbm>>, %arg7: memref<12500x128xf32, #tpu.memory_space<hbm>>, %arg8: memref<12500x128xf32, #tpu.memory_space<hbm>>, %arg9: memref<102400x128xf32, #tpu.memory_space<hbm>>, %arg10: memref<2048x128xf32, #tpu.memory_space<hbm>>, %arg11: memref<128xi32, #tpu.memory_space<vmem>>, %arg12: memref<128x128xf32, #tpu.memory_space<vmem>>, %arg13: memref<64xi32, #tpu.memory_space<vmem>>, %arg14: memref<64x128xf32, #tpu.memory_space<vmem>>, %arg15: memref<!tpu.dma_semaphore, #tpu.memory_space<semaphore_mem>>) attributes {dimension_semantics = [#tpu.dimension_semantics<core_parallel>, #tpu.dimension_semantics<subcore_parallel>], iteration_bounds = array<i64: 2, 16>, scalar_prefetch = 0 : i64, scratch_operands = 5 : i64, tpu.core_type = #tpu.core_type<sc_vector_subcore>, window_params = [{transform_indices = #map}, {transform_indices = #map1}, {transform_indices = #map1}, {transform_indices = #map}, {transform_indices = #map}, {transform_indices = #map}, {transform_indices = #map}, {transform_indices = #map}, {transform_indices = #map}]} {
    %mul3A = arith.constant 2 : i32
    %mul3A_0 = arith.muli %arg1, %mul3A : i32
    %add3A = arith.addi %mul3A_0, %arg0 : i32
    %mul3A_1 = arith.constant 3200 : i32
    %mul3A_2 = arith.muli %add3A, %mul3A_1 : i32
    %mul3A_3 = arith.constant 2 : i32
    %mul3A_4 = arith.muli %mul3A_3, %arg0 : i32
    %jit3A = arith.constant 8 : i32
    %div3A = arith.divsi %arg1, %jit3A : i32
    %sign3A = arith.constant 0 : i32
    %sign3A_5 = arith.cmpi sgt, %arg1, %sign3A : i32
    %sign3A_6 = arith.extui %sign3A_5 : i1 to i32
    %sign3A_7 = arith.constant 0 : i32
    %sign3A_8 = arith.cmpi slt, %arg1, %sign3A_7 : i32
    %sign3A_9 = arith.extui %sign3A_8 : i1 to i32
    %sign3A_10 = arith.subi %sign3A_6, %sign3A_9 : i32
    %sign3A_11 = arith.constant 0 : i32
    %sign3A_12 = arith.cmpi sgt, %jit3A, %sign3A_11 : i32
    %sign3A_13 = arith.extui %sign3A_12 : i1 to i32
    %sign3A_14 = arith.constant 0 : i32
    %sign3A_15 = arith.cmpi slt, %jit3A, %sign3A_14 : i32
    %sign3A_16 = arith.extui %sign3A_15 : i1 to i32
    %sign3A_17 = arith.subi %sign3A_13, %sign3A_16 : i32
    %ne3A = arith.cmpi ne, %sign3A_10, %sign3A_17 : i32
    %rem3A = arith.remsi %arg1, %jit3A : i32
    %ne3A_18 = arith.constant 0 : i32
    %ne3A_19 = arith.cmpi ne, %rem3A, %ne3A_18 : i32
    %and3A = arith.andi %ne3A, %ne3A_19 : i1
    %sub3A = arith.constant 1 : i32
    %sub3A_20 = arith.subi %div3A, %sub3A : i32
    %select_n3A = arith.select %and3A, %sub3A_20, %div3A : i32
    %add3A_21 = arith.addi %mul3A_4, %select_n3A : i32
    %jit3A_22 = arith.constant 8 : i32
    %eq3A = arith.constant 0 : i32
    %eq3A_23 = arith.cmpi eq, %jit3A_22, %eq3A : i32
    %jit3A_24 = arith.constant 1 : i32
    %select_n3A_25 = arith.select %eq3A_23, %jit3A_24, %jit3A_22 : i32
    %rem3A_26 = arith.remsi %arg1, %select_n3A_25 : i32
    %ne3A_27 = arith.constant 0 : i32
    %ne3A_28 = arith.cmpi ne, %rem3A_26, %ne3A_27 : i32
    %lt3A = arith.constant 0 : i32
    %lt3A_29 = arith.cmpi slt, %rem3A_26, %lt3A : i32
    %lt3A_30 = arith.constant 0 : i32
    %lt3A_31 = arith.cmpi slt, %select_n3A_25, %lt3A_30 : i32
    %ne3A_32 = arith.xori %lt3A_29, %lt3A_31 : i1
    %and3A_33 = arith.andi %ne3A_32, %ne3A_28 : i1
    %add3A_34 = arith.addi %rem3A_26, %select_n3A_25 : i32
    %select_n3A_35 = arith.select %and3A_33, %add3A_34, %rem3A_26 : i32
    %scan3A = arith.constant 0 : i32
    %scan3A_36 = arith.constant 0 : i32
    %scan3A_37 = arith.constant 25 : i32
    %scan3A_38 = arith.addi %scan3A_36, %scan3A_37 : i32
    %scan3A_39 = arith.constant 1 : i32
    scf.for %scan3A_72 = %scan3A_36 to %scan3A_38 step %scan3A_39  : i32 {
      %mul3A_73 = arith.constant 128 : i32
      %mul3A_74 = arith.muli %scan3A_72, %mul3A_73 : i32
      %add3A_75 = arith.addi %mul3A_2, %mul3A_74 : i32
      %multiple_of3A_76 = tpu.assume_multiple %add3A_75, 128 : i32
      %add3A_77 = arith.constant 0 : i32
      %add3A_78 = arith.addi %add3A_77, %mul3A_2 : i32
      %mul3A_79 = arith.constant 128 : i32
      %mul3A_80 = arith.muli %scan3A_72, %mul3A_79 : i32
      %add3A_81 = arith.addi %add3A_78, %mul3A_80 : i32
      %multiple_of3A_82 = tpu.assume_multiple %add3A_81, 128 : i32
      "tpu.region"() ({
        %run_scoped3A = tpu.sem_alloc : memref<!tpu.dma_semaphore, #tpu.memory_space<semaphore_mem>>
        %dma_start3A_87 = tpu.memref_slice %arg3[%multiple_of3A_82] : memref<204800xi32, #tpu.memory_space<hbm>> -> memref<128xi32, #tpu.memory_space<hbm>>
        %dma_start3A_88 = tpu.memref_slice %arg3[%multiple_of3A_82] : memref<204800xi32, #tpu.memory_space<hbm>> -> memref<128xi32, #tpu.memory_space<hbm>>
        tpu.enqueue_dma source(%dma_start3A_88 : memref<128xi32, #tpu.memory_space<hbm>>) target(%arg11 : memref<128xi32, #tpu.memory_space<vmem>>) target_semaphore(%run_scoped3A : memref<!tpu.dma_semaphore, #tpu.memory_space<semaphore_mem>>)
        %dma_wait3A_89 = tpu.memref_slice %arg3[%multiple_of3A_82] : memref<204800xi32, #tpu.memory_space<hbm>> -> memref<128xi32, #tpu.memory_space<hbm>>
        %dma_wait3A_90 = tpu.memref_slice %arg3[%multiple_of3A_82] : memref<204800xi32, #tpu.memory_space<hbm>> -> memref<128xi32, #tpu.memory_space<hbm>>
        tpu.wait_dma2 semaphore(%run_scoped3A : memref<!tpu.dma_semaphore, #tpu.memory_space<semaphore_mem>>) src(%dma_wait3A_90 : memref<128xi32, #tpu.memory_space<hbm>>) dst(%arg11 : memref<128xi32, #tpu.memory_space<vmem>>)
        tpu.yield
      }) : () -> ()
      %dma_start3A = arith.constant 0 : i32
      %dma_start3A_83 = arith.constant 0 : i32
      %dma_start3A_84 = tpu.memref_slice %arg2[%dma_start3A, %dma_start3A_83] : memref<100000x128xf32, #tpu.memory_space<hbm>> -> memref<100000x128xf32, #tpu.memory_space<hbm>>
      tpu.enqueue_indirect_dma source(%dma_start3A_84 : memref<100000x128xf32, #tpu.memory_space<hbm>>) target(%arg12 : memref<128x128xf32, #tpu.memory_space<vmem>>) offsets(%arg11 : memref<128xi32, #tpu.memory_space<vmem>>) semaphore(%arg15 : memref<!tpu.dma_semaphore, #tpu.memory_space<semaphore_mem>>)
      %dma_wait3A = arith.constant 0 : i32
      %dma_wait3A_85 = arith.constant 0 : i32
      %dma_wait3A_86 = tpu.memref_slice %arg2[%dma_wait3A, %dma_wait3A_85] : memref<100000x128xf32, #tpu.memory_space<hbm>> -> memref<100000x128xf32, #tpu.memory_space<hbm>>
      tpu.wait_indirect_dma semaphore(%arg15 : memref<!tpu.dma_semaphore, #tpu.memory_space<semaphore_mem>>) src(%dma_wait3A_86 : memref<100000x128xf32, #tpu.memory_space<hbm>>) dst(%arg12 : memref<128x128xf32, #tpu.memory_space<vmem>>)
      "tpu.region"() ({
        %run_scoped3A = tpu.sem_alloc : memref<!tpu.dma_semaphore, #tpu.memory_space<semaphore_mem>>
        %dma_start3A_87 = arith.constant 0 : i32
        %dma_start3A_88 = tpu.memref_slice %arg9[%multiple_of3A_76, %dma_start3A_87] : memref<102400x128xf32, #tpu.memory_space<hbm>> -> memref<128x128xf32, #tpu.memory_space<hbm>>
        %dma_start3A_89 = arith.constant 0 : i32
        %dma_start3A_90 = tpu.memref_slice %arg9[%multiple_of3A_76, %dma_start3A_89] : memref<102400x128xf32, #tpu.memory_space<hbm>> -> memref<128x128xf32, #tpu.memory_space<hbm>>
        tpu.enqueue_dma source(%arg12 : memref<128x128xf32, #tpu.memory_space<vmem>>) target(%dma_start3A_90 : memref<128x128xf32, #tpu.memory_space<hbm>>) target_semaphore(%run_scoped3A : memref<!tpu.dma_semaphore, #tpu.memory_space<semaphore_mem>>)
        %dma_wait3A_91 = arith.constant 0 : i32
        %dma_wait3A_92 = tpu.memref_slice %arg9[%multiple_of3A_76, %dma_wait3A_91] : memref<102400x128xf32, #tpu.memory_space<hbm>> -> memref<128x128xf32, #tpu.memory_space<hbm>>
        %dma_wait3A_93 = arith.constant 0 : i32
        %dma_wait3A_94 = tpu.memref_slice %arg9[%multiple_of3A_76, %dma_wait3A_93] : memref<102400x128xf32, #tpu.memory_space<hbm>> -> memref<128x128xf32, #tpu.memory_space<hbm>>
        tpu.wait_dma2 semaphore(%run_scoped3A : memref<!tpu.dma_semaphore, #tpu.memory_space<semaphore_mem>>) src(%arg12 : memref<128x128xf32, #tpu.memory_space<vmem>>) dst(%dma_wait3A_94 : memref<128x128xf32, #tpu.memory_space<hbm>>)
        tpu.yield
      }) : () -> ()
    }
    %scan3A_40 = arith.constant 25 : i32
    %mul3A_41 = arith.constant 8 : i32
    %mul3A_42 = arith.muli %add3A_21, %mul3A_41 : i32
    %add3A_43 = arith.addi %mul3A_42, %select_n3A_35 : i32
    %mul3A_44 = arith.constant 64 : i32
    %mul3A_45 = arith.muli %add3A_43, %mul3A_44 : i32
    %multiple_of3A = tpu.assume_multiple %mul3A_45, 64 : i32
    %mul3A_46 = arith.constant 1024 : i32
    %mul3A_47 = arith.muli %add3A_21, %mul3A_46 : i32
    %add3A_48 = arith.constant 0 : i32
    %add3A_49 = arith.addi %mul3A_47, %add3A_48 : i32
    %mul3A_50 = arith.constant 64 : i32
    %mul3A_51 = arith.muli %select_n3A_35, %mul3A_50 : i32
    %add3A_52 = arith.addi %add3A_49, %mul3A_51 : i32
    %multiple_of3A_53 = tpu.assume_multiple %add3A_52, 64 : i32
    "tpu.region"() ({
      %run_scoped3A = tpu.sem_alloc : memref<!tpu.dma_semaphore, #tpu.memory_space<semaphore_mem>>
      %dma_start3A = tpu.memref_slice %arg4[%multiple_of3A_53] : memref<4096xi32, #tpu.memory_space<hbm>> -> memref<64xi32, #tpu.memory_space<hbm>>
      %dma_start3A_72 = tpu.memref_slice %arg4[%multiple_of3A_53] : memref<4096xi32, #tpu.memory_space<hbm>> -> memref<64xi32, #tpu.memory_space<hbm>>
      tpu.enqueue_dma source(%dma_start3A_72 : memref<64xi32, #tpu.memory_space<hbm>>) target(%arg13 : memref<64xi32, #tpu.memory_space<vmem>>) target_semaphore(%run_scoped3A : memref<!tpu.dma_semaphore, #tpu.memory_space<semaphore_mem>>)
      %dma_wait3A = tpu.memref_slice %arg4[%multiple_of3A_53] : memref<4096xi32, #tpu.memory_space<hbm>> -> memref<64xi32, #tpu.memory_space<hbm>>
      %dma_wait3A_73 = tpu.memref_slice %arg4[%multiple_of3A_53] : memref<4096xi32, #tpu.memory_space<hbm>> -> memref<64xi32, #tpu.memory_space<hbm>>
      tpu.wait_dma2 semaphore(%run_scoped3A : memref<!tpu.dma_semaphore, #tpu.memory_space<semaphore_mem>>) src(%dma_wait3A_73 : memref<64xi32, #tpu.memory_space<hbm>>) dst(%arg13 : memref<64xi32, #tpu.memory_space<vmem>>)
      tpu.yield
    }) : () -> ()
    %eq3A_54 = arith.constant 0 : i32
    %eq3A_55 = arith.cmpi eq, %add3A_21, %eq3A_54 : i32
    %convert_element_type3A = arith.extui %eq3A_55 : i1 to i32
    %cond3A = arith.constant 0 : i32
    %cond3A_56 = arith.cmpi ne, %convert_element_type3A, %cond3A : i32
    scf.if %cond3A_56 {
      %dma_start3A = arith.constant 0 : i32
      %dma_start3A_72 = arith.constant 0 : i32
      %dma_start3A_73 = tpu.memref_slice %arg5[%dma_start3A, %dma_start3A_72] : memref<12500x128xf32, #tpu.memory_space<hbm>> -> memref<12500x128xf32, #tpu.memory_space<hbm>>
      tpu.enqueue_indirect_dma source(%dma_start3A_73 : memref<12500x128xf32, #tpu.memory_space<hbm>>) target(%arg14 : memref<64x128xf32, #tpu.memory_space<vmem>>) offsets(%arg13 : memref<64xi32, #tpu.memory_space<vmem>>) semaphore(%arg15 : memref<!tpu.dma_semaphore, #tpu.memory_space<semaphore_mem>>)
      %dma_wait3A = arith.constant 0 : i32
      %dma_wait3A_74 = arith.constant 0 : i32
      %dma_wait3A_75 = tpu.memref_slice %arg5[%dma_wait3A, %dma_wait3A_74] : memref<12500x128xf32, #tpu.memory_space<hbm>> -> memref<12500x128xf32, #tpu.memory_space<hbm>>
      tpu.wait_indirect_dma semaphore(%arg15 : memref<!tpu.dma_semaphore, #tpu.memory_space<semaphore_mem>>) src(%dma_wait3A_75 : memref<12500x128xf32, #tpu.memory_space<hbm>>) dst(%arg14 : memref<64x128xf32, #tpu.memory_space<vmem>>)
    } else {
    }
    %eq3A_57 = arith.constant 1 : i32
    %eq3A_58 = arith.cmpi eq, %add3A_21, %eq3A_57 : i32
    %convert_element_type3A_59 = arith.extui %eq3A_58 : i1 to i32
    %cond3A_60 = arith.constant 0 : i32
    %cond3A_61 = arith.cmpi ne, %convert_element_type3A_59, %cond3A_60 : i32
    scf.if %cond3A_61 {
      %dma_start3A = arith.constant 0 : i32
      %dma_start3A_72 = arith.constant 0 : i32
      %dma_start3A_73 = tpu.memref_slice %arg6[%dma_start3A, %dma_start3A_72] : memref<12500x128xf32, #tpu.memory_space<hbm>> -> memref<12500x128xf32, #tpu.memory_space<hbm>>
      tpu.enqueue_indirect_dma source(%dma_start3A_73 : memref<12500x128xf32, #tpu.memory_space<hbm>>) target(%arg14 : memref<64x128xf32, #tpu.memory_space<vmem>>) offsets(%arg13 : memref<64xi32, #tpu.memory_space<vmem>>) semaphore(%arg15 : memref<!tpu.dma_semaphore, #tpu.memory_space<semaphore_mem>>)
      %dma_wait3A = arith.constant 0 : i32
      %dma_wait3A_74 = arith.constant 0 : i32
      %dma_wait3A_75 = tpu.memref_slice %arg6[%dma_wait3A, %dma_wait3A_74] : memref<12500x128xf32, #tpu.memory_space<hbm>> -> memref<12500x128xf32, #tpu.memory_space<hbm>>
      tpu.wait_indirect_dma semaphore(%arg15 : memref<!tpu.dma_semaphore, #tpu.memory_space<semaphore_mem>>) src(%dma_wait3A_75 : memref<12500x128xf32, #tpu.memory_space<hbm>>) dst(%arg14 : memref<64x128xf32, #tpu.memory_space<vmem>>)
    } else {
    }
    %eq3A_62 = arith.constant 2 : i32
    %eq3A_63 = arith.cmpi eq, %add3A_21, %eq3A_62 : i32
    %convert_element_type3A_64 = arith.extui %eq3A_63 : i1 to i32
    %cond3A_65 = arith.constant 0 : i32
    %cond3A_66 = arith.cmpi ne, %convert_element_type3A_64, %cond3A_65 : i32
    scf.if %cond3A_66 {
      %dma_start3A = arith.constant 0 : i32
      %dma_start3A_72 = arith.constant 0 : i32
      %dma_start3A_73 = tpu.memref_slice %arg7[%dma_start3A, %dma_start3A_72] : memref<12500x128xf32, #tpu.memory_space<hbm>> -> memref<12500x128xf32, #tpu.memory_space<hbm>>
      tpu.enqueue_indirect_dma source(%dma_start3A_73 : memref<12500x128xf32, #tpu.memory_space<hbm>>) target(%arg14 : memref<64x128xf32, #tpu.memory_space<vmem>>) offsets(%arg13 : memref<64xi32, #tpu.memory_space<vmem>>) semaphore(%arg15 : memref<!tpu.dma_semaphore, #tpu.memory_space<semaphore_mem>>)
      %dma_wait3A = arith.constant 0 : i32
      %dma_wait3A_74 = arith.constant 0 : i32
      %dma_wait3A_75 = tpu.memref_slice %arg7[%dma_wait3A, %dma_wait3A_74] : memref<12500x128xf32, #tpu.memory_space<hbm>> -> memref<12500x128xf32, #tpu.memory_space<hbm>>
      tpu.wait_indirect_dma semaphore(%arg15 : memref<!tpu.dma_semaphore, #tpu.memory_space<semaphore_mem>>) src(%dma_wait3A_75 : memref<12500x128xf32, #tpu.memory_space<hbm>>) dst(%arg14 : memref<64x128xf32, #tpu.memory_space<vmem>>)
    } else {
    }
    %eq3A_67 = arith.constant 3 : i32
    %eq3A_68 = arith.cmpi eq, %add3A_21, %eq3A_67 : i32
    %convert_element_type3A_69 = arith.extui %eq3A_68 : i1 to i32
    %cond3A_70 = arith.constant 0 : i32
    %cond3A_71 = arith.cmpi ne, %convert_element_type3A_69, %cond3A_70 : i32
    scf.if %cond3A_71 {
      %dma_start3A = arith.constant 0 : i32
      %dma_start3A_72 = arith.constant 0 : i32
      %dma_start3A_73 = tpu.memref_slice %arg8[%dma_start3A, %dma_start3A_72] : memref<12500x128xf32, #tpu.memory_space<hbm>> -> memref<12500x128xf32, #tpu.memory_space<hbm>>
      tpu.enqueue_indirect_dma source(%dma_start3A_73 : memref<12500x128xf32, #tpu.memory_space<hbm>>) target(%arg14 : memref<64x128xf32, #tpu.memory_space<vmem>>) offsets(%arg13 : memref<64xi32, #tpu.memory_space<vmem>>) semaphore(%arg15 : memref<!tpu.dma_semaphore, #tpu.memory_space<semaphore_mem>>)
      %dma_wait3A = arith.constant 0 : i32
      %dma_wait3A_74 = arith.constant 0 : i32
      %dma_wait3A_75 = tpu.memref_slice %arg8[%dma_wait3A, %dma_wait3A_74] : memref<12500x128xf32, #tpu.memory_space<hbm>> -> memref<12500x128xf32, #tpu.memory_space<hbm>>
      tpu.wait_indirect_dma semaphore(%arg15 : memref<!tpu.dma_semaphore, #tpu.memory_space<semaphore_mem>>) src(%dma_wait3A_75 : memref<12500x128xf32, #tpu.memory_space<hbm>>) dst(%arg14 : memref<64x128xf32, #tpu.memory_space<vmem>>)
    } else {
    }
    "tpu.region"() ({
      %run_scoped3A = tpu.sem_alloc : memref<!tpu.dma_semaphore, #tpu.memory_space<semaphore_mem>>
      %dma_start3A = arith.constant 0 : i32
      %dma_start3A_72 = tpu.memref_slice %arg10[%multiple_of3A, %dma_start3A] : memref<2048x128xf32, #tpu.memory_space<hbm>> -> memref<64x128xf32, #tpu.memory_space<hbm>>
      %dma_start3A_73 = arith.constant 0 : i32
      %dma_start3A_74 = tpu.memref_slice %arg10[%multiple_of3A, %dma_start3A_73] : memref<2048x128xf32, #tpu.memory_space<hbm>> -> memref<64x128xf32, #tpu.memory_space<hbm>>
      tpu.enqueue_dma source(%arg14 : memref<64x128xf32, #tpu.memory_space<vmem>>) target(%dma_start3A_74 : memref<64x128xf32, #tpu.memory_space<hbm>>) target_semaphore(%run_scoped3A : memref<!tpu.dma_semaphore, #tpu.memory_space<semaphore_mem>>)
      %dma_wait3A = arith.constant 0 : i32
      %dma_wait3A_75 = tpu.memref_slice %arg10[%multiple_of3A, %dma_wait3A] : memref<2048x128xf32, #tpu.memory_space<hbm>> -> memref<64x128xf32, #tpu.memory_space<hbm>>
      %dma_wait3A_76 = arith.constant 0 : i32
      %dma_wait3A_77 = tpu.memref_slice %arg10[%multiple_of3A, %dma_wait3A_76] : memref<2048x128xf32, #tpu.memory_space<hbm>> -> memref<64x128xf32, #tpu.memory_space<hbm>>
      tpu.wait_dma2 semaphore(%run_scoped3A : memref<!tpu.dma_semaphore, #tpu.memory_space<semaphore_mem>>) src(%arg14 : memref<64x128xf32, #tpu.memory_space<vmem>>) dst(%dma_wait3A_77 : memref<64x128xf32, #tpu.memory_space<hbm>>)
      tpu.yield
    }) : () -> ()
    return
  }
}

module attributes {stable_mosaic.version = 14 : i64} {
  func.func @_tc_body(%arg0: i32, %arg1: memref<3200x128xf32, #tpu.memory_space<vmem>>, %arg2: memref<16x200xi32, #tpu.memory_space<vmem>>, %arg3: memref<16x200xi32, #tpu.memory_space<vmem>>, %arg4: memref<16x200xi32, #tpu.memory_space<vmem>>, %arg5: memref<4x16x128xf32, #tpu.memory_space<vmem>>, %arg6: memref<16x4xi32, #tpu.memory_space<vmem>>, %arg7: memref<256x128xbf16, #tpu.memory_space<vmem>>, %arg8: memref<512x128xbf16, #tpu.memory_space<vmem>>, %arg9: memref<256x128xbf16, #tpu.memory_space<vmem>>, %arg10: memref<64x128xf32, #tpu.memory_space<vmem>>, %arg11: memref<1x128xf32, #tpu.memory_space<vmem>>, %arg12: memref<1x128xf32, #tpu.memory_space<vmem>>, %arg13: memref<1x128xf32, #tpu.memory_space<vmem>>, %arg14: memref<16x201x128xf32, #tpu.memory_space<vmem>>) attributes {dimension_semantics = [#tpu.dimension_semantics<arbitrary>], iteration_bounds = array<i64: 32>, scalar_prefetch = 0 : i64, scratch_operands = 0 : i64, tpu.core_type = #tpu.core_type<tc>, window_params = [{transform_indices = @transform_0, window_bounds = array<i64: 3200, 128>}, {transform_indices = @transform_1, window_bounds = array<i64: 16, 200>}, {transform_indices = @transform_2, window_bounds = array<i64: 16, 200>}, {transform_indices = @transform_3, window_bounds = array<i64: 16, 200>}, {transform_indices = @transform_4, window_bounds = array<i64: 4, 16, 128>}, {transform_indices = @transform_5, window_bounds = array<i64: 16, 4>}, {pipeline_mode = #tpu.pipeline_mode<synchronous>, transform_indices = @transform_6, window_bounds = array<i64: 256, 128>}, {pipeline_mode = #tpu.pipeline_mode<synchronous>, transform_indices = @transform_7, window_bounds = array<i64: 512, 128>}, {pipeline_mode = #tpu.pipeline_mode<synchronous>, transform_indices = @transform_8, window_bounds = array<i64: 256, 128>}, {pipeline_mode = #tpu.pipeline_mode<synchronous>, transform_indices = @transform_9, window_bounds = array<i64: 64, 128>}, {pipeline_mode = #tpu.pipeline_mode<synchronous>, transform_indices = @transform_10, window_bounds = array<i64: 1, 128>}, {pipeline_mode = #tpu.pipeline_mode<synchronous>, transform_indices = @transform_11, window_bounds = array<i64: 1, 128>}, {pipeline_mode = #tpu.pipeline_mode<synchronous>, transform_indices = @transform_12, window_bounds = array<i64: 1, 128>}, {transform_indices = @transform_13, window_bounds = array<i64: 16, 201, 128>}]} {
    %get3A = arith.constant 0 : index
    %get3A_0 = arith.constant 0 : index
    %get3A_1 = vector.load %arg1[%get3A, %get3A_0] : memref<3200x128xf32, #tpu.memory_space<vmem>>, vector<3200x128xf32>
    %get3A_2 = arith.constant 0 : index
    %get3A_3 = arith.constant 0 : index
    %get3A_4 = vector.load %arg2[%get3A_2, %get3A_3] : memref<16x200xi32, #tpu.memory_space<vmem>>, vector<16x200xi32>
    %broadcast_in_dim3A = vector.shape_cast %get3A_4 : vector<16x200xi32> to vector<16x200x1xi32>
    %iota3A = tpu.iota {dimensions = array<i32: 2>} : vector<16x200x128xi32>
    %eq3A = vector.broadcast %broadcast_in_dim3A : vector<16x200x1xi32> to vector<16x200x128xi32>
    %eq3A_5 = arith.cmpi eq, %eq3A, %iota3A : vector<16x200x128xi32>
    %convert_element_type3A = arith.extui %eq3A_5 : vector<16x200x128xi1> to vector<16x200x128xi32>
    %convert_element_type3A_6 = arith.sitofp %convert_element_type3A : vector<16x200x128xi32> to vector<16x200x128xf32>
    %convert_element_type3A_7 = arith.truncf %convert_element_type3A_6 : vector<16x200x128xf32> to vector<16x200x128xbf16>
    %reshape3A = vector.shape_cast %convert_element_type3A_7 : vector<16x200x128xbf16> to vector<3200x128xbf16>
    %get3A_8 = arith.constant 0 : index
    %get3A_9 = arith.constant 0 : index
    %get3A_10 = vector.load %arg7[%get3A_8, %get3A_9] : memref<256x128xbf16, #tpu.memory_space<vmem>>, vector<128x128xbf16>
    %dot_general3A = arith.constant dense<0.000000e+00> : vector<3200x128xf32>
    %dot_general3A_11 = tpu.matmul %reshape3A, %get3A_10, %dot_general3A {dimension_numbers = #tpu.dot_dimension_numbers<[1], [0], [0], [1], [0, 0, 1, 1], [], []>, transpose_lhs_hint = false} : vector<3200x128xbf16>, vector<128x128xbf16>, vector<3200x128xf32> -> vector<3200x128xf32>
    %get3A_12 = arith.constant 128 : index
    %get3A_13 = arith.constant 0 : index
    %get3A_14 = vector.load %arg7[%get3A_12, %get3A_13] : memref<256x128xbf16, #tpu.memory_space<vmem>>, vector<128x128xbf16>
    %dot_general3A_15 = arith.constant dense<0.000000e+00> : vector<3200x128xf32>
    %dot_general3A_16 = tpu.matmul %reshape3A, %get3A_14, %dot_general3A_15 {dimension_numbers = #tpu.dot_dimension_numbers<[1], [0], [0], [1], [0, 0, 1, 1], [], []>, transpose_lhs_hint = false} : vector<3200x128xbf16>, vector<128x128xbf16>, vector<3200x128xf32> -> vector<3200x128xf32>
    %add3A = arith.addf %dot_general3A_11, %dot_general3A_16 : vector<3200x128xf32>
    %add3A_17 = arith.addf %get3A_1, %add3A : vector<3200x128xf32>
    %get3A_18 = arith.constant 0 : index
    %get3A_19 = arith.constant 0 : index
    %get3A_20 = vector.load %arg4[%get3A_18, %get3A_19] : memref<16x200xi32, #tpu.memory_space<vmem>>, vector<16x200xi32>
    %broadcast_in_dim3A_21 = vector.shape_cast %get3A_20 : vector<16x200xi32> to vector<16x200x1xi32>
    %iota3A_22 = tpu.iota {dimensions = array<i32: 2>} : vector<16x200x128xi32>
    %eq3A_23 = vector.broadcast %broadcast_in_dim3A_21 : vector<16x200x1xi32> to vector<16x200x128xi32>
    %eq3A_24 = arith.cmpi eq, %eq3A_23, %iota3A_22 : vector<16x200x128xi32>
    %convert_element_type3A_25 = arith.extui %eq3A_24 : vector<16x200x128xi1> to vector<16x200x128xi32>
    %convert_element_type3A_26 = arith.sitofp %convert_element_type3A_25 : vector<16x200x128xi32> to vector<16x200x128xf32>
    %convert_element_type3A_27 = arith.truncf %convert_element_type3A_26 : vector<16x200x128xf32> to vector<16x200x128xbf16>
    %reshape3A_28 = vector.shape_cast %convert_element_type3A_27 : vector<16x200x128xbf16> to vector<3200x128xbf16>
    %get3A_29 = arith.constant 0 : index
    %get3A_30 = arith.constant 0 : index
    %get3A_31 = vector.load %arg9[%get3A_29, %get3A_30] : memref<256x128xbf16, #tpu.memory_space<vmem>>, vector<128x128xbf16>
    %dot_general3A_32 = arith.constant dense<0.000000e+00> : vector<3200x128xf32>
    %dot_general3A_33 = tpu.matmul %reshape3A_28, %get3A_31, %dot_general3A_32 {dimension_numbers = #tpu.dot_dimension_numbers<[1], [0], [0], [1], [0, 0, 1, 1], [], []>, transpose_lhs_hint = false} : vector<3200x128xbf16>, vector<128x128xbf16>, vector<3200x128xf32> -> vector<3200x128xf32>
    %get3A_34 = arith.constant 128 : index
    %get3A_35 = arith.constant 0 : index
    %get3A_36 = vector.load %arg9[%get3A_34, %get3A_35] : memref<256x128xbf16, #tpu.memory_space<vmem>>, vector<128x128xbf16>
    %dot_general3A_37 = arith.constant dense<0.000000e+00> : vector<3200x128xf32>
    %dot_general3A_38 = tpu.matmul %reshape3A_28, %get3A_36, %dot_general3A_37 {dimension_numbers = #tpu.dot_dimension_numbers<[1], [0], [0], [1], [0, 0, 1, 1], [], []>, transpose_lhs_hint = false} : vector<3200x128xbf16>, vector<128x128xbf16>, vector<3200x128xf32> -> vector<3200x128xf32>
    %add3A_39 = arith.addf %dot_general3A_33, %dot_general3A_38 : vector<3200x128xf32>
    %add3A_40 = arith.addf %add3A_17, %add3A_39 : vector<3200x128xf32>
    %get3A_41 = arith.constant 0 : index
    %get3A_42 = arith.constant 0 : index
    %get3A_43 = vector.load %arg3[%get3A_41, %get3A_42] : memref<16x200xi32, #tpu.memory_space<vmem>>, vector<16x200xi32>
    %broadcast_in_dim3A_44 = vector.shape_cast %get3A_43 : vector<16x200xi32> to vector<16x200x1xi32>
    %iota3A_45 = tpu.iota {dimensions = array<i32: 2>} : vector<16x200x256xi32>
    %eq3A_46 = vector.broadcast %broadcast_in_dim3A_44 : vector<16x200x1xi32> to vector<16x200x256xi32>
    %eq3A_47 = arith.cmpi eq, %eq3A_46, %iota3A_45 : vector<16x200x256xi32>
    %convert_element_type3A_48 = arith.extui %eq3A_47 : vector<16x200x256xi1> to vector<16x200x256xi32>
    %convert_element_type3A_49 = arith.sitofp %convert_element_type3A_48 : vector<16x200x256xi32> to vector<16x200x256xf32>
    %convert_element_type3A_50 = arith.truncf %convert_element_type3A_49 : vector<16x200x256xf32> to vector<16x200x256xbf16>
    %reshape3A_51 = vector.shape_cast %convert_element_type3A_50 : vector<16x200x256xbf16> to vector<3200x256xbf16>
    %get3A_52 = arith.constant 0 : index
    %get3A_53 = arith.constant 0 : index
    %get3A_54 = vector.load %arg8[%get3A_52, %get3A_53] : memref<512x128xbf16, #tpu.memory_space<vmem>>, vector<256x128xbf16>
    %dot_general3A_55 = arith.constant dense<0.000000e+00> : vector<3200x128xf32>
    %dot_general3A_56 = tpu.matmul %reshape3A_51, %get3A_54, %dot_general3A_55 {dimension_numbers = #tpu.dot_dimension_numbers<[1], [0], [0], [1], [0, 0, 1, 1], [], []>, transpose_lhs_hint = false} : vector<3200x256xbf16>, vector<256x128xbf16>, vector<3200x128xf32> -> vector<3200x128xf32>
    %get3A_57 = arith.constant 256 : index
    %get3A_58 = arith.constant 0 : index
    %get3A_59 = vector.load %arg8[%get3A_57, %get3A_58] : memref<512x128xbf16, #tpu.memory_space<vmem>>, vector<256x128xbf16>
    %dot_general3A_60 = arith.constant dense<0.000000e+00> : vector<3200x128xf32>
    %dot_general3A_61 = tpu.matmul %reshape3A_51, %get3A_59, %dot_general3A_60 {dimension_numbers = #tpu.dot_dimension_numbers<[1], [0], [0], [1], [0, 0, 1, 1], [], []>, transpose_lhs_hint = false} : vector<3200x256xbf16>, vector<256x128xbf16>, vector<3200x128xf32> -> vector<3200x128xf32>
    %add3A_62 = arith.addf %dot_general3A_56, %dot_general3A_61 : vector<3200x128xf32>
    %add3A_63 = arith.addf %add3A_40, %add3A_62 : vector<3200x128xf32>
    %get3A_64 = arith.constant 0 : index
    %get3A_65 = arith.constant 0 : index
    %get3A_66 = vector.load %arg11[%get3A_64, %get3A_65] : memref<1x128xf32, #tpu.memory_space<vmem>>, vector<1x128xf32>
    %broadcast_in_dim3A_67 = vector.shape_cast %get3A_66 : vector<1x128xf32> to vector<1x128xf32>
    %broadcast_in_dim3A_68 = vector.broadcast %broadcast_in_dim3A_67 : vector<1x128xf32> to vector<16x128xf32>
    %get3A_69 = arith.constant 0 : index
    %get3A_70 = arith.constant 0 : index
    %get3A_71 = arith.constant 0 : index
    %get3A_72 = vector.load %arg5[%get3A_69, %get3A_70, %get3A_71] : memref<4x16x128xf32, #tpu.memory_space<vmem>>, vector<1x16x128xf32>
    %get3A_73 = vector.shape_cast %get3A_72 : vector<1x16x128xf32> to vector<16x128xf32>
    %get3A_74 = arith.constant 0 : index
    %get3A_75 = arith.constant 0 : index
    %get3A_76 = vector.load %arg6[%get3A_74, %get3A_75] : memref<16x4xi32, #tpu.memory_space<vmem>>, vector<16x1xi32>
    %get3A_77 = vector.shape_cast %get3A_76 : vector<16x1xi32> to vector<16xi32>
    %broadcast_in_dim3A_78 = arith.constant 0.000000e+00 : f32
    %broadcast_in_dim3A_79 = vector.broadcast %broadcast_in_dim3A_78 : f32 to vector<16x16xf32>
    %eq3A_80 = arith.constant 0 : i32
    %eq3A_81 = vector.broadcast %eq3A_80 : i32 to vector<16xi32>
    %eq3A_82 = arith.cmpi eq, %get3A_77, %eq3A_81 : vector<16xi32>
    %convert_element_type3A_83 = arith.extui %eq3A_82 : vector<16xi1> to vector<16xi32>
    %convert_element_type3A_84 = arith.sitofp %convert_element_type3A_83 : vector<16xi32> to vector<16xf32>
    %broadcast_in_dim3A_85 = vector.shape_cast %convert_element_type3A_84 : vector<16xf32> to vector<16x1xf32>
    %slice3A = vector.extract_strided_slice %get3A_73 {offsets = [0, 0], sizes = [16, 16], strides = [1, 1]} : vector<16x128xf32> to vector<16x16xf32>
    %mul3A = vector.broadcast %broadcast_in_dim3A_85 : vector<16x1xf32> to vector<16x16xf32>
    %mul3A_86 = arith.mulf %mul3A, %slice3A : vector<16x16xf32>
    %add3A_87 = arith.addf %broadcast_in_dim3A_79, %mul3A_86 : vector<16x16xf32>
    %eq3A_88 = arith.constant 1 : i32
    %eq3A_89 = vector.broadcast %eq3A_88 : i32 to vector<16xi32>
    %eq3A_90 = arith.cmpi eq, %get3A_77, %eq3A_89 : vector<16xi32>
    %convert_element_type3A_91 = arith.extui %eq3A_90 : vector<16xi1> to vector<16xi32>
    %convert_element_type3A_92 = arith.sitofp %convert_element_type3A_91 : vector<16xi32> to vector<16xf32>
    %broadcast_in_dim3A_93 = vector.shape_cast %convert_element_type3A_92 : vector<16xf32> to vector<16x1xf32>
    %slice3A_94 = vector.extract_strided_slice %get3A_73 {offsets = [0, 16], sizes = [16, 16], strides = [1, 1]} : vector<16x128xf32> to vector<16x16xf32>
    %mul3A_95 = vector.broadcast %broadcast_in_dim3A_93 : vector<16x1xf32> to vector<16x16xf32>
    %mul3A_96 = arith.mulf %mul3A_95, %slice3A_94 : vector<16x16xf32>
    %add3A_97 = arith.addf %add3A_87, %mul3A_96 : vector<16x16xf32>
    %eq3A_98 = arith.constant 2 : i32
    %eq3A_99 = vector.broadcast %eq3A_98 : i32 to vector<16xi32>
    %eq3A_100 = arith.cmpi eq, %get3A_77, %eq3A_99 : vector<16xi32>
    %convert_element_type3A_101 = arith.extui %eq3A_100 : vector<16xi1> to vector<16xi32>
    %convert_element_type3A_102 = arith.sitofp %convert_element_type3A_101 : vector<16xi32> to vector<16xf32>
    %broadcast_in_dim3A_103 = vector.shape_cast %convert_element_type3A_102 : vector<16xf32> to vector<16x1xf32>
    %slice3A_104 = vector.extract_strided_slice %get3A_73 {offsets = [0, 32], sizes = [16, 16], strides = [1, 1]} : vector<16x128xf32> to vector<16x16xf32>
    %mul3A_105 = vector.broadcast %broadcast_in_dim3A_103 : vector<16x1xf32> to vector<16x16xf32>
    %mul3A_106 = arith.mulf %mul3A_105, %slice3A_104 : vector<16x16xf32>
    %add3A_107 = arith.addf %add3A_97, %mul3A_106 : vector<16x16xf32>
    %eq3A_108 = arith.constant 3 : i32
    %eq3A_109 = vector.broadcast %eq3A_108 : i32 to vector<16xi32>
    %eq3A_110 = arith.cmpi eq, %get3A_77, %eq3A_109 : vector<16xi32>
    %convert_element_type3A_111 = arith.extui %eq3A_110 : vector<16xi1> to vector<16xi32>
    %convert_element_type3A_112 = arith.sitofp %convert_element_type3A_111 : vector<16xi32> to vector<16xf32>
    %broadcast_in_dim3A_113 = vector.shape_cast %convert_element_type3A_112 : vector<16xf32> to vector<16x1xf32>
    %slice3A_114 = vector.extract_strided_slice %get3A_73 {offsets = [0, 48], sizes = [16, 16], strides = [1, 1]} : vector<16x128xf32> to vector<16x16xf32>
    %mul3A_115 = vector.broadcast %broadcast_in_dim3A_113 : vector<16x1xf32> to vector<16x16xf32>
    %mul3A_116 = arith.mulf %mul3A_115, %slice3A_114 : vector<16x16xf32>
    %add3A_117 = arith.addf %add3A_107, %mul3A_116 : vector<16x16xf32>
    %eq3A_118 = arith.constant 4 : i32
    %eq3A_119 = vector.broadcast %eq3A_118 : i32 to vector<16xi32>
    %eq3A_120 = arith.cmpi eq, %get3A_77, %eq3A_119 : vector<16xi32>
    %convert_element_type3A_121 = arith.extui %eq3A_120 : vector<16xi1> to vector<16xi32>
    %convert_element_type3A_122 = arith.sitofp %convert_element_type3A_121 : vector<16xi32> to vector<16xf32>
    %broadcast_in_dim3A_123 = vector.shape_cast %convert_element_type3A_122 : vector<16xf32> to vector<16x1xf32>
    %slice3A_124 = vector.extract_strided_slice %get3A_73 {offsets = [0, 64], sizes = [16, 16], strides = [1, 1]} : vector<16x128xf32> to vector<16x16xf32>
    %mul3A_125 = vector.broadcast %broadcast_in_dim3A_123 : vector<16x1xf32> to vector<16x16xf32>
    %mul3A_126 = arith.mulf %mul3A_125, %slice3A_124 : vector<16x16xf32>
    %add3A_127 = arith.addf %add3A_117, %mul3A_126 : vector<16x16xf32>
    %eq3A_128 = arith.constant 5 : i32
    %eq3A_129 = vector.broadcast %eq3A_128 : i32 to vector<16xi32>
    %eq3A_130 = arith.cmpi eq, %get3A_77, %eq3A_129 : vector<16xi32>
    %convert_element_type3A_131 = arith.extui %eq3A_130 : vector<16xi1> to vector<16xi32>
    %convert_element_type3A_132 = arith.sitofp %convert_element_type3A_131 : vector<16xi32> to vector<16xf32>
    %broadcast_in_dim3A_133 = vector.shape_cast %convert_element_type3A_132 : vector<16xf32> to vector<16x1xf32>
    %slice3A_134 = vector.extract_strided_slice %get3A_73 {offsets = [0, 80], sizes = [16, 16], strides = [1, 1]} : vector<16x128xf32> to vector<16x16xf32>
    %mul3A_135 = vector.broadcast %broadcast_in_dim3A_133 : vector<16x1xf32> to vector<16x16xf32>
    %mul3A_136 = arith.mulf %mul3A_135, %slice3A_134 : vector<16x16xf32>
    %add3A_137 = arith.addf %add3A_127, %mul3A_136 : vector<16x16xf32>
    %eq3A_138 = arith.constant 6 : i32
    %eq3A_139 = vector.broadcast %eq3A_138 : i32 to vector<16xi32>
    %eq3A_140 = arith.cmpi eq, %get3A_77, %eq3A_139 : vector<16xi32>
    %convert_element_type3A_141 = arith.extui %eq3A_140 : vector<16xi1> to vector<16xi32>
    %convert_element_type3A_142 = arith.sitofp %convert_element_type3A_141 : vector<16xi32> to vector<16xf32>
    %broadcast_in_dim3A_143 = vector.shape_cast %convert_element_type3A_142 : vector<16xf32> to vector<16x1xf32>
    %slice3A_144 = vector.extract_strided_slice %get3A_73 {offsets = [0, 96], sizes = [16, 16], strides = [1, 1]} : vector<16x128xf32> to vector<16x16xf32>
    %mul3A_145 = vector.broadcast %broadcast_in_dim3A_143 : vector<16x1xf32> to vector<16x16xf32>
    %mul3A_146 = arith.mulf %mul3A_145, %slice3A_144 : vector<16x16xf32>
    %add3A_147 = arith.addf %add3A_137, %mul3A_146 : vector<16x16xf32>
    %eq3A_148 = arith.constant 7 : i32
    %eq3A_149 = vector.broadcast %eq3A_148 : i32 to vector<16xi32>
    %eq3A_150 = arith.cmpi eq, %get3A_77, %eq3A_149 : vector<16xi32>
    %convert_element_type3A_151 = arith.extui %eq3A_150 : vector<16xi1> to vector<16xi32>
    %convert_element_type3A_152 = arith.sitofp %convert_element_type3A_151 : vector<16xi32> to vector<16xf32>
    %broadcast_in_dim3A_153 = vector.shape_cast %convert_element_type3A_152 : vector<16xf32> to vector<16x1xf32>
    %slice3A_154 = vector.extract_strided_slice %get3A_73 {offsets = [0, 112], sizes = [16, 16], strides = [1, 1]} : vector<16x128xf32> to vector<16x16xf32>
    %mul3A_155 = vector.broadcast %broadcast_in_dim3A_153 : vector<16x1xf32> to vector<16x16xf32>
    %mul3A_156 = arith.mulf %mul3A_155, %slice3A_154 : vector<16x16xf32>
    %add3A_157 = arith.addf %add3A_147, %mul3A_156 : vector<16x16xf32>
    %get3A_158 = arith.constant 0 : index
    %get3A_159 = arith.constant 0 : index
    %get3A_160 = vector.load %arg10[%get3A_158, %get3A_159] : memref<64x128xf32, #tpu.memory_space<vmem>>, vector<16x128xf32>
    %dot_general3A_161 = arith.constant dense<0.000000e+00> : vector<16x128xf32>
    %dot_general3A_162 = tpu.matmul %add3A_157, %get3A_160, %dot_general3A_161 {dimension_numbers = #tpu.dot_dimension_numbers<[1], [0], [0], [1], [0, 0, 1, 1], [], []>, transpose_lhs_hint = false} : vector<16x16xf32>, vector<16x128xf32>, vector<16x128xf32> -> vector<16x128xf32>
    %add3A_163 = arith.addf %broadcast_in_dim3A_68, %dot_general3A_162 : vector<16x128xf32>
    %get3A_164 = arith.constant 1 : index
    %get3A_165 = arith.constant 0 : index
    %get3A_166 = arith.constant 0 : index
    %get3A_167 = vector.load %arg5[%get3A_164, %get3A_165, %get3A_166] : memref<4x16x128xf32, #tpu.memory_space<vmem>>, vector<1x16x128xf32>
    %get3A_168 = vector.shape_cast %get3A_167 : vector<1x16x128xf32> to vector<16x128xf32>
    %get3A_169 = arith.constant 0 : index
    %get3A_170 = arith.constant 1 : index
    %get3A_171 = vector.load %arg6[%get3A_169, %get3A_170] : memref<16x4xi32, #tpu.memory_space<vmem>>, vector<16x1xi32>
    %get3A_172 = vector.shape_cast %get3A_171 : vector<16x1xi32> to vector<16xi32>
    %broadcast_in_dim3A_173 = arith.constant 0.000000e+00 : f32
    %broadcast_in_dim3A_174 = vector.broadcast %broadcast_in_dim3A_173 : f32 to vector<16x16xf32>
    %eq3A_175 = arith.constant 0 : i32
    %eq3A_176 = vector.broadcast %eq3A_175 : i32 to vector<16xi32>
    %eq3A_177 = arith.cmpi eq, %get3A_172, %eq3A_176 : vector<16xi32>
    %convert_element_type3A_178 = arith.extui %eq3A_177 : vector<16xi1> to vector<16xi32>
    %convert_element_type3A_179 = arith.sitofp %convert_element_type3A_178 : vector<16xi32> to vector<16xf32>
    %broadcast_in_dim3A_180 = vector.shape_cast %convert_element_type3A_179 : vector<16xf32> to vector<16x1xf32>
    %slice3A_181 = vector.extract_strided_slice %get3A_168 {offsets = [0, 0], sizes = [16, 16], strides = [1, 1]} : vector<16x128xf32> to vector<16x16xf32>
    %mul3A_182 = vector.broadcast %broadcast_in_dim3A_180 : vector<16x1xf32> to vector<16x16xf32>
    %mul3A_183 = arith.mulf %mul3A_182, %slice3A_181 : vector<16x16xf32>
    %add3A_184 = arith.addf %broadcast_in_dim3A_174, %mul3A_183 : vector<16x16xf32>
    %eq3A_185 = arith.constant 1 : i32
    %eq3A_186 = vector.broadcast %eq3A_185 : i32 to vector<16xi32>
    %eq3A_187 = arith.cmpi eq, %get3A_172, %eq3A_186 : vector<16xi32>
    %convert_element_type3A_188 = arith.extui %eq3A_187 : vector<16xi1> to vector<16xi32>
    %convert_element_type3A_189 = arith.sitofp %convert_element_type3A_188 : vector<16xi32> to vector<16xf32>
    %broadcast_in_dim3A_190 = vector.shape_cast %convert_element_type3A_189 : vector<16xf32> to vector<16x1xf32>
    %slice3A_191 = vector.extract_strided_slice %get3A_168 {offsets = [0, 16], sizes = [16, 16], strides = [1, 1]} : vector<16x128xf32> to vector<16x16xf32>
    %mul3A_192 = vector.broadcast %broadcast_in_dim3A_190 : vector<16x1xf32> to vector<16x16xf32>
    %mul3A_193 = arith.mulf %mul3A_192, %slice3A_191 : vector<16x16xf32>
    %add3A_194 = arith.addf %add3A_184, %mul3A_193 : vector<16x16xf32>
    %eq3A_195 = arith.constant 2 : i32
    %eq3A_196 = vector.broadcast %eq3A_195 : i32 to vector<16xi32>
    %eq3A_197 = arith.cmpi eq, %get3A_172, %eq3A_196 : vector<16xi32>
    %convert_element_type3A_198 = arith.extui %eq3A_197 : vector<16xi1> to vector<16xi32>
    %convert_element_type3A_199 = arith.sitofp %convert_element_type3A_198 : vector<16xi32> to vector<16xf32>
    %broadcast_in_dim3A_200 = vector.shape_cast %convert_element_type3A_199 : vector<16xf32> to vector<16x1xf32>
    %slice3A_201 = vector.extract_strided_slice %get3A_168 {offsets = [0, 32], sizes = [16, 16], strides = [1, 1]} : vector<16x128xf32> to vector<16x16xf32>
    %mul3A_202 = vector.broadcast %broadcast_in_dim3A_200 : vector<16x1xf32> to vector<16x16xf32>
    %mul3A_203 = arith.mulf %mul3A_202, %slice3A_201 : vector<16x16xf32>
    %add3A_204 = arith.addf %add3A_194, %mul3A_203 : vector<16x16xf32>
    %eq3A_205 = arith.constant 3 : i32
    %eq3A_206 = vector.broadcast %eq3A_205 : i32 to vector<16xi32>
    %eq3A_207 = arith.cmpi eq, %get3A_172, %eq3A_206 : vector<16xi32>
    %convert_element_type3A_208 = arith.extui %eq3A_207 : vector<16xi1> to vector<16xi32>
    %convert_element_type3A_209 = arith.sitofp %convert_element_type3A_208 : vector<16xi32> to vector<16xf32>
    %broadcast_in_dim3A_210 = vector.shape_cast %convert_element_type3A_209 : vector<16xf32> to vector<16x1xf32>
    %slice3A_211 = vector.extract_strided_slice %get3A_168 {offsets = [0, 48], sizes = [16, 16], strides = [1, 1]} : vector<16x128xf32> to vector<16x16xf32>
    %mul3A_212 = vector.broadcast %broadcast_in_dim3A_210 : vector<16x1xf32> to vector<16x16xf32>
    %mul3A_213 = arith.mulf %mul3A_212, %slice3A_211 : vector<16x16xf32>
    %add3A_214 = arith.addf %add3A_204, %mul3A_213 : vector<16x16xf32>
    %eq3A_215 = arith.constant 4 : i32
    %eq3A_216 = vector.broadcast %eq3A_215 : i32 to vector<16xi32>
    %eq3A_217 = arith.cmpi eq, %get3A_172, %eq3A_216 : vector<16xi32>
    %convert_element_type3A_218 = arith.extui %eq3A_217 : vector<16xi1> to vector<16xi32>
    %convert_element_type3A_219 = arith.sitofp %convert_element_type3A_218 : vector<16xi32> to vector<16xf32>
    %broadcast_in_dim3A_220 = vector.shape_cast %convert_element_type3A_219 : vector<16xf32> to vector<16x1xf32>
    %slice3A_221 = vector.extract_strided_slice %get3A_168 {offsets = [0, 64], sizes = [16, 16], strides = [1, 1]} : vector<16x128xf32> to vector<16x16xf32>
    %mul3A_222 = vector.broadcast %broadcast_in_dim3A_220 : vector<16x1xf32> to vector<16x16xf32>
    %mul3A_223 = arith.mulf %mul3A_222, %slice3A_221 : vector<16x16xf32>
    %add3A_224 = arith.addf %add3A_214, %mul3A_223 : vector<16x16xf32>
    %eq3A_225 = arith.constant 5 : i32
    %eq3A_226 = vector.broadcast %eq3A_225 : i32 to vector<16xi32>
    %eq3A_227 = arith.cmpi eq, %get3A_172, %eq3A_226 : vector<16xi32>
    %convert_element_type3A_228 = arith.extui %eq3A_227 : vector<16xi1> to vector<16xi32>
    %convert_element_type3A_229 = arith.sitofp %convert_element_type3A_228 : vector<16xi32> to vector<16xf32>
    %broadcast_in_dim3A_230 = vector.shape_cast %convert_element_type3A_229 : vector<16xf32> to vector<16x1xf32>
    %slice3A_231 = vector.extract_strided_slice %get3A_168 {offsets = [0, 80], sizes = [16, 16], strides = [1, 1]} : vector<16x128xf32> to vector<16x16xf32>
    %mul3A_232 = vector.broadcast %broadcast_in_dim3A_230 : vector<16x1xf32> to vector<16x16xf32>
    %mul3A_233 = arith.mulf %mul3A_232, %slice3A_231 : vector<16x16xf32>
    %add3A_234 = arith.addf %add3A_224, %mul3A_233 : vector<16x16xf32>
    %eq3A_235 = arith.constant 6 : i32
    %eq3A_236 = vector.broadcast %eq3A_235 : i32 to vector<16xi32>
    %eq3A_237 = arith.cmpi eq, %get3A_172, %eq3A_236 : vector<16xi32>
    %convert_element_type3A_238 = arith.extui %eq3A_237 : vector<16xi1> to vector<16xi32>
    %convert_element_type3A_239 = arith.sitofp %convert_element_type3A_238 : vector<16xi32> to vector<16xf32>
    %broadcast_in_dim3A_240 = vector.shape_cast %convert_element_type3A_239 : vector<16xf32> to vector<16x1xf32>
    %slice3A_241 = vector.extract_strided_slice %get3A_168 {offsets = [0, 96], sizes = [16, 16], strides = [1, 1]} : vector<16x128xf32> to vector<16x16xf32>
    %mul3A_242 = vector.broadcast %broadcast_in_dim3A_240 : vector<16x1xf32> to vector<16x16xf32>
    %mul3A_243 = arith.mulf %mul3A_242, %slice3A_241 : vector<16x16xf32>
    %add3A_244 = arith.addf %add3A_234, %mul3A_243 : vector<16x16xf32>
    %eq3A_245 = arith.constant 7 : i32
    %eq3A_246 = vector.broadcast %eq3A_245 : i32 to vector<16xi32>
    %eq3A_247 = arith.cmpi eq, %get3A_172, %eq3A_246 : vector<16xi32>
    %convert_element_type3A_248 = arith.extui %eq3A_247 : vector<16xi1> to vector<16xi32>
    %convert_element_type3A_249 = arith.sitofp %convert_element_type3A_248 : vector<16xi32> to vector<16xf32>
    %broadcast_in_dim3A_250 = vector.shape_cast %convert_element_type3A_249 : vector<16xf32> to vector<16x1xf32>
    %slice3A_251 = vector.extract_strided_slice %get3A_168 {offsets = [0, 112], sizes = [16, 16], strides = [1, 1]} : vector<16x128xf32> to vector<16x16xf32>
    %mul3A_252 = vector.broadcast %broadcast_in_dim3A_250 : vector<16x1xf32> to vector<16x16xf32>
    %mul3A_253 = arith.mulf %mul3A_252, %slice3A_251 : vector<16x16xf32>
    %add3A_254 = arith.addf %add3A_244, %mul3A_253 : vector<16x16xf32>
    %get3A_255 = arith.constant 16 : index
    %get3A_256 = arith.constant 0 : index
    %get3A_257 = vector.load %arg10[%get3A_255, %get3A_256] : memref<64x128xf32, #tpu.memory_space<vmem>>, vector<16x128xf32>
    %dot_general3A_258 = arith.constant dense<0.000000e+00> : vector<16x128xf32>
    %dot_general3A_259 = tpu.matmul %add3A_254, %get3A_257, %dot_general3A_258 {dimension_numbers = #tpu.dot_dimension_numbers<[1], [0], [0], [1], [0, 0, 1, 1], [], []>, transpose_lhs_hint = false} : vector<16x16xf32>, vector<16x128xf32>, vector<16x128xf32> -> vector<16x128xf32>
    %add3A_260 = arith.addf %add3A_163, %dot_general3A_259 : vector<16x128xf32>
    %get3A_261 = arith.constant 2 : index
    %get3A_262 = arith.constant 0 : index
    %get3A_263 = arith.constant 0 : index
    %get3A_264 = vector.load %arg5[%get3A_261, %get3A_262, %get3A_263] : memref<4x16x128xf32, #tpu.memory_space<vmem>>, vector<1x16x128xf32>
    %get3A_265 = vector.shape_cast %get3A_264 : vector<1x16x128xf32> to vector<16x128xf32>
    %get3A_266 = arith.constant 0 : index
    %get3A_267 = arith.constant 2 : index
    %get3A_268 = vector.load %arg6[%get3A_266, %get3A_267] : memref<16x4xi32, #tpu.memory_space<vmem>>, vector<16x1xi32>
    %get3A_269 = vector.shape_cast %get3A_268 : vector<16x1xi32> to vector<16xi32>
    %broadcast_in_dim3A_270 = arith.constant 0.000000e+00 : f32
    %broadcast_in_dim3A_271 = vector.broadcast %broadcast_in_dim3A_270 : f32 to vector<16x16xf32>
    %eq3A_272 = arith.constant 0 : i32
    %eq3A_273 = vector.broadcast %eq3A_272 : i32 to vector<16xi32>
    %eq3A_274 = arith.cmpi eq, %get3A_269, %eq3A_273 : vector<16xi32>
    %convert_element_type3A_275 = arith.extui %eq3A_274 : vector<16xi1> to vector<16xi32>
    %convert_element_type3A_276 = arith.sitofp %convert_element_type3A_275 : vector<16xi32> to vector<16xf32>
    %broadcast_in_dim3A_277 = vector.shape_cast %convert_element_type3A_276 : vector<16xf32> to vector<16x1xf32>
    %slice3A_278 = vector.extract_strided_slice %get3A_265 {offsets = [0, 0], sizes = [16, 16], strides = [1, 1]} : vector<16x128xf32> to vector<16x16xf32>
    %mul3A_279 = vector.broadcast %broadcast_in_dim3A_277 : vector<16x1xf32> to vector<16x16xf32>
    %mul3A_280 = arith.mulf %mul3A_279, %slice3A_278 : vector<16x16xf32>
    %add3A_281 = arith.addf %broadcast_in_dim3A_271, %mul3A_280 : vector<16x16xf32>
    %eq3A_282 = arith.constant 1 : i32
    %eq3A_283 = vector.broadcast %eq3A_282 : i32 to vector<16xi32>
    %eq3A_284 = arith.cmpi eq, %get3A_269, %eq3A_283 : vector<16xi32>
    %convert_element_type3A_285 = arith.extui %eq3A_284 : vector<16xi1> to vector<16xi32>
    %convert_element_type3A_286 = arith.sitofp %convert_element_type3A_285 : vector<16xi32> to vector<16xf32>
    %broadcast_in_dim3A_287 = vector.shape_cast %convert_element_type3A_286 : vector<16xf32> to vector<16x1xf32>
    %slice3A_288 = vector.extract_strided_slice %get3A_265 {offsets = [0, 16], sizes = [16, 16], strides = [1, 1]} : vector<16x128xf32> to vector<16x16xf32>
    %mul3A_289 = vector.broadcast %broadcast_in_dim3A_287 : vector<16x1xf32> to vector<16x16xf32>
    %mul3A_290 = arith.mulf %mul3A_289, %slice3A_288 : vector<16x16xf32>
    %add3A_291 = arith.addf %add3A_281, %mul3A_290 : vector<16x16xf32>
    %eq3A_292 = arith.constant 2 : i32
    %eq3A_293 = vector.broadcast %eq3A_292 : i32 to vector<16xi32>
    %eq3A_294 = arith.cmpi eq, %get3A_269, %eq3A_293 : vector<16xi32>
    %convert_element_type3A_295 = arith.extui %eq3A_294 : vector<16xi1> to vector<16xi32>
    %convert_element_type3A_296 = arith.sitofp %convert_element_type3A_295 : vector<16xi32> to vector<16xf32>
    %broadcast_in_dim3A_297 = vector.shape_cast %convert_element_type3A_296 : vector<16xf32> to vector<16x1xf32>
    %slice3A_298 = vector.extract_strided_slice %get3A_265 {offsets = [0, 32], sizes = [16, 16], strides = [1, 1]} : vector<16x128xf32> to vector<16x16xf32>
    %mul3A_299 = vector.broadcast %broadcast_in_dim3A_297 : vector<16x1xf32> to vector<16x16xf32>
    %mul3A_300 = arith.mulf %mul3A_299, %slice3A_298 : vector<16x16xf32>
    %add3A_301 = arith.addf %add3A_291, %mul3A_300 : vector<16x16xf32>
    %eq3A_302 = arith.constant 3 : i32
    %eq3A_303 = vector.broadcast %eq3A_302 : i32 to vector<16xi32>
    %eq3A_304 = arith.cmpi eq, %get3A_269, %eq3A_303 : vector<16xi32>
    %convert_element_type3A_305 = arith.extui %eq3A_304 : vector<16xi1> to vector<16xi32>
    %convert_element_type3A_306 = arith.sitofp %convert_element_type3A_305 : vector<16xi32> to vector<16xf32>
    %broadcast_in_dim3A_307 = vector.shape_cast %convert_element_type3A_306 : vector<16xf32> to vector<16x1xf32>
    %slice3A_308 = vector.extract_strided_slice %get3A_265 {offsets = [0, 48], sizes = [16, 16], strides = [1, 1]} : vector<16x128xf32> to vector<16x16xf32>
    %mul3A_309 = vector.broadcast %broadcast_in_dim3A_307 : vector<16x1xf32> to vector<16x16xf32>
    %mul3A_310 = arith.mulf %mul3A_309, %slice3A_308 : vector<16x16xf32>
    %add3A_311 = arith.addf %add3A_301, %mul3A_310 : vector<16x16xf32>
    %eq3A_312 = arith.constant 4 : i32
    %eq3A_313 = vector.broadcast %eq3A_312 : i32 to vector<16xi32>
    %eq3A_314 = arith.cmpi eq, %get3A_269, %eq3A_313 : vector<16xi32>
    %convert_element_type3A_315 = arith.extui %eq3A_314 : vector<16xi1> to vector<16xi32>
    %convert_element_type3A_316 = arith.sitofp %convert_element_type3A_315 : vector<16xi32> to vector<16xf32>
    %broadcast_in_dim3A_317 = vector.shape_cast %convert_element_type3A_316 : vector<16xf32> to vector<16x1xf32>
    %slice3A_318 = vector.extract_strided_slice %get3A_265 {offsets = [0, 64], sizes = [16, 16], strides = [1, 1]} : vector<16x128xf32> to vector<16x16xf32>
    %mul3A_319 = vector.broadcast %broadcast_in_dim3A_317 : vector<16x1xf32> to vector<16x16xf32>
    %mul3A_320 = arith.mulf %mul3A_319, %slice3A_318 : vector<16x16xf32>
    %add3A_321 = arith.addf %add3A_311, %mul3A_320 : vector<16x16xf32>
    %eq3A_322 = arith.constant 5 : i32
    %eq3A_323 = vector.broadcast %eq3A_322 : i32 to vector<16xi32>
    %eq3A_324 = arith.cmpi eq, %get3A_269, %eq3A_323 : vector<16xi32>
    %convert_element_type3A_325 = arith.extui %eq3A_324 : vector<16xi1> to vector<16xi32>
    %convert_element_type3A_326 = arith.sitofp %convert_element_type3A_325 : vector<16xi32> to vector<16xf32>
    %broadcast_in_dim3A_327 = vector.shape_cast %convert_element_type3A_326 : vector<16xf32> to vector<16x1xf32>
    %slice3A_328 = vector.extract_strided_slice %get3A_265 {offsets = [0, 80], sizes = [16, 16], strides = [1, 1]} : vector<16x128xf32> to vector<16x16xf32>
    %mul3A_329 = vector.broadcast %broadcast_in_dim3A_327 : vector<16x1xf32> to vector<16x16xf32>
    %mul3A_330 = arith.mulf %mul3A_329, %slice3A_328 : vector<16x16xf32>
    %add3A_331 = arith.addf %add3A_321, %mul3A_330 : vector<16x16xf32>
    %eq3A_332 = arith.constant 6 : i32
    %eq3A_333 = vector.broadcast %eq3A_332 : i32 to vector<16xi32>
    %eq3A_334 = arith.cmpi eq, %get3A_269, %eq3A_333 : vector<16xi32>
    %convert_element_type3A_335 = arith.extui %eq3A_334 : vector<16xi1> to vector<16xi32>
    %convert_element_type3A_336 = arith.sitofp %convert_element_type3A_335 : vector<16xi32> to vector<16xf32>
    %broadcast_in_dim3A_337 = vector.shape_cast %convert_element_type3A_336 : vector<16xf32> to vector<16x1xf32>
    %slice3A_338 = vector.extract_strided_slice %get3A_265 {offsets = [0, 96], sizes = [16, 16], strides = [1, 1]} : vector<16x128xf32> to vector<16x16xf32>
    %mul3A_339 = vector.broadcast %broadcast_in_dim3A_337 : vector<16x1xf32> to vector<16x16xf32>
    %mul3A_340 = arith.mulf %mul3A_339, %slice3A_338 : vector<16x16xf32>
    %add3A_341 = arith.addf %add3A_331, %mul3A_340 : vector<16x16xf32>
    %eq3A_342 = arith.constant 7 : i32
    %eq3A_343 = vector.broadcast %eq3A_342 : i32 to vector<16xi32>
    %eq3A_344 = arith.cmpi eq, %get3A_269, %eq3A_343 : vector<16xi32>
    %convert_element_type3A_345 = arith.extui %eq3A_344 : vector<16xi1> to vector<16xi32>
    %convert_element_type3A_346 = arith.sitofp %convert_element_type3A_345 : vector<16xi32> to vector<16xf32>
    %broadcast_in_dim3A_347 = vector.shape_cast %convert_element_type3A_346 : vector<16xf32> to vector<16x1xf32>
    %slice3A_348 = vector.extract_strided_slice %get3A_265 {offsets = [0, 112], sizes = [16, 16], strides = [1, 1]} : vector<16x128xf32> to vector<16x16xf32>
    %mul3A_349 = vector.broadcast %broadcast_in_dim3A_347 : vector<16x1xf32> to vector<16x16xf32>
    %mul3A_350 = arith.mulf %mul3A_349, %slice3A_348 : vector<16x16xf32>
    %add3A_351 = arith.addf %add3A_341, %mul3A_350 : vector<16x16xf32>
    %get3A_352 = arith.constant 32 : index
    %get3A_353 = arith.constant 0 : index
    %get3A_354 = vector.load %arg10[%get3A_352, %get3A_353] : memref<64x128xf32, #tpu.memory_space<vmem>>, vector<16x128xf32>
    %dot_general3A_355 = arith.constant dense<0.000000e+00> : vector<16x128xf32>
    %dot_general3A_356 = tpu.matmul %add3A_351, %get3A_354, %dot_general3A_355 {dimension_numbers = #tpu.dot_dimension_numbers<[1], [0], [0], [1], [0, 0, 1, 1], [], []>, transpose_lhs_hint = false} : vector<16x16xf32>, vector<16x128xf32>, vector<16x128xf32> -> vector<16x128xf32>
    %add3A_357 = arith.addf %add3A_260, %dot_general3A_356 : vector<16x128xf32>
    %get3A_358 = arith.constant 3 : index
    %get3A_359 = arith.constant 0 : index
    %get3A_360 = arith.constant 0 : index
    %get3A_361 = vector.load %arg5[%get3A_358, %get3A_359, %get3A_360] : memref<4x16x128xf32, #tpu.memory_space<vmem>>, vector<1x16x128xf32>
    %get3A_362 = vector.shape_cast %get3A_361 : vector<1x16x128xf32> to vector<16x128xf32>
    %get3A_363 = arith.constant 0 : index
    %get3A_364 = arith.constant 3 : index
    %get3A_365 = vector.load %arg6[%get3A_363, %get3A_364] : memref<16x4xi32, #tpu.memory_space<vmem>>, vector<16x1xi32>
    %get3A_366 = vector.shape_cast %get3A_365 : vector<16x1xi32> to vector<16xi32>
    %broadcast_in_dim3A_367 = arith.constant 0.000000e+00 : f32
    %broadcast_in_dim3A_368 = vector.broadcast %broadcast_in_dim3A_367 : f32 to vector<16x16xf32>
    %eq3A_369 = arith.constant 0 : i32
    %eq3A_370 = vector.broadcast %eq3A_369 : i32 to vector<16xi32>
    %eq3A_371 = arith.cmpi eq, %get3A_366, %eq3A_370 : vector<16xi32>
    %convert_element_type3A_372 = arith.extui %eq3A_371 : vector<16xi1> to vector<16xi32>
    %convert_element_type3A_373 = arith.sitofp %convert_element_type3A_372 : vector<16xi32> to vector<16xf32>
    %broadcast_in_dim3A_374 = vector.shape_cast %convert_element_type3A_373 : vector<16xf32> to vector<16x1xf32>
    %slice3A_375 = vector.extract_strided_slice %get3A_362 {offsets = [0, 0], sizes = [16, 16], strides = [1, 1]} : vector<16x128xf32> to vector<16x16xf32>
    %mul3A_376 = vector.broadcast %broadcast_in_dim3A_374 : vector<16x1xf32> to vector<16x16xf32>
    %mul3A_377 = arith.mulf %mul3A_376, %slice3A_375 : vector<16x16xf32>
    %add3A_378 = arith.addf %broadcast_in_dim3A_368, %mul3A_377 : vector<16x16xf32>
    %eq3A_379 = arith.constant 1 : i32
    %eq3A_380 = vector.broadcast %eq3A_379 : i32 to vector<16xi32>
    %eq3A_381 = arith.cmpi eq, %get3A_366, %eq3A_380 : vector<16xi32>
    %convert_element_type3A_382 = arith.extui %eq3A_381 : vector<16xi1> to vector<16xi32>
    %convert_element_type3A_383 = arith.sitofp %convert_element_type3A_382 : vector<16xi32> to vector<16xf32>
    %broadcast_in_dim3A_384 = vector.shape_cast %convert_element_type3A_383 : vector<16xf32> to vector<16x1xf32>
    %slice3A_385 = vector.extract_strided_slice %get3A_362 {offsets = [0, 16], sizes = [16, 16], strides = [1, 1]} : vector<16x128xf32> to vector<16x16xf32>
    %mul3A_386 = vector.broadcast %broadcast_in_dim3A_384 : vector<16x1xf32> to vector<16x16xf32>
    %mul3A_387 = arith.mulf %mul3A_386, %slice3A_385 : vector<16x16xf32>
    %add3A_388 = arith.addf %add3A_378, %mul3A_387 : vector<16x16xf32>
    %eq3A_389 = arith.constant 2 : i32
    %eq3A_390 = vector.broadcast %eq3A_389 : i32 to vector<16xi32>
    %eq3A_391 = arith.cmpi eq, %get3A_366, %eq3A_390 : vector<16xi32>
    %convert_element_type3A_392 = arith.extui %eq3A_391 : vector<16xi1> to vector<16xi32>
    %convert_element_type3A_393 = arith.sitofp %convert_element_type3A_392 : vector<16xi32> to vector<16xf32>
    %broadcast_in_dim3A_394 = vector.shape_cast %convert_element_type3A_393 : vector<16xf32> to vector<16x1xf32>
    %slice3A_395 = vector.extract_strided_slice %get3A_362 {offsets = [0, 32], sizes = [16, 16], strides = [1, 1]} : vector<16x128xf32> to vector<16x16xf32>
    %mul3A_396 = vector.broadcast %broadcast_in_dim3A_394 : vector<16x1xf32> to vector<16x16xf32>
    %mul3A_397 = arith.mulf %mul3A_396, %slice3A_395 : vector<16x16xf32>
    %add3A_398 = arith.addf %add3A_388, %mul3A_397 : vector<16x16xf32>
    %eq3A_399 = arith.constant 3 : i32
    %eq3A_400 = vector.broadcast %eq3A_399 : i32 to vector<16xi32>
    %eq3A_401 = arith.cmpi eq, %get3A_366, %eq3A_400 : vector<16xi32>
    %convert_element_type3A_402 = arith.extui %eq3A_401 : vector<16xi1> to vector<16xi32>
    %convert_element_type3A_403 = arith.sitofp %convert_element_type3A_402 : vector<16xi32> to vector<16xf32>
    %broadcast_in_dim3A_404 = vector.shape_cast %convert_element_type3A_403 : vector<16xf32> to vector<16x1xf32>
    %slice3A_405 = vector.extract_strided_slice %get3A_362 {offsets = [0, 48], sizes = [16, 16], strides = [1, 1]} : vector<16x128xf32> to vector<16x16xf32>
    %mul3A_406 = vector.broadcast %broadcast_in_dim3A_404 : vector<16x1xf32> to vector<16x16xf32>
    %mul3A_407 = arith.mulf %mul3A_406, %slice3A_405 : vector<16x16xf32>
    %add3A_408 = arith.addf %add3A_398, %mul3A_407 : vector<16x16xf32>
    %eq3A_409 = arith.constant 4 : i32
    %eq3A_410 = vector.broadcast %eq3A_409 : i32 to vector<16xi32>
    %eq3A_411 = arith.cmpi eq, %get3A_366, %eq3A_410 : vector<16xi32>
    %convert_element_type3A_412 = arith.extui %eq3A_411 : vector<16xi1> to vector<16xi32>
    %convert_element_type3A_413 = arith.sitofp %convert_element_type3A_412 : vector<16xi32> to vector<16xf32>
    %broadcast_in_dim3A_414 = vector.shape_cast %convert_element_type3A_413 : vector<16xf32> to vector<16x1xf32>
    %slice3A_415 = vector.extract_strided_slice %get3A_362 {offsets = [0, 64], sizes = [16, 16], strides = [1, 1]} : vector<16x128xf32> to vector<16x16xf32>
    %mul3A_416 = vector.broadcast %broadcast_in_dim3A_414 : vector<16x1xf32> to vector<16x16xf32>
    %mul3A_417 = arith.mulf %mul3A_416, %slice3A_415 : vector<16x16xf32>
    %add3A_418 = arith.addf %add3A_408, %mul3A_417 : vector<16x16xf32>
    %eq3A_419 = arith.constant 5 : i32
    %eq3A_420 = vector.broadcast %eq3A_419 : i32 to vector<16xi32>
    %eq3A_421 = arith.cmpi eq, %get3A_366, %eq3A_420 : vector<16xi32>
    %convert_element_type3A_422 = arith.extui %eq3A_421 : vector<16xi1> to vector<16xi32>
    %convert_element_type3A_423 = arith.sitofp %convert_element_type3A_422 : vector<16xi32> to vector<16xf32>
    %broadcast_in_dim3A_424 = vector.shape_cast %convert_element_type3A_423 : vector<16xf32> to vector<16x1xf32>
    %slice3A_425 = vector.extract_strided_slice %get3A_362 {offsets = [0, 80], sizes = [16, 16], strides = [1, 1]} : vector<16x128xf32> to vector<16x16xf32>
    %mul3A_426 = vector.broadcast %broadcast_in_dim3A_424 : vector<16x1xf32> to vector<16x16xf32>
    %mul3A_427 = arith.mulf %mul3A_426, %slice3A_425 : vector<16x16xf32>
    %add3A_428 = arith.addf %add3A_418, %mul3A_427 : vector<16x16xf32>
    %eq3A_429 = arith.constant 6 : i32
    %eq3A_430 = vector.broadcast %eq3A_429 : i32 to vector<16xi32>
    %eq3A_431 = arith.cmpi eq, %get3A_366, %eq3A_430 : vector<16xi32>
    %convert_element_type3A_432 = arith.extui %eq3A_431 : vector<16xi1> to vector<16xi32>
    %convert_element_type3A_433 = arith.sitofp %convert_element_type3A_432 : vector<16xi32> to vector<16xf32>
    %broadcast_in_dim3A_434 = vector.shape_cast %convert_element_type3A_433 : vector<16xf32> to vector<16x1xf32>
    %slice3A_435 = vector.extract_strided_slice %get3A_362 {offsets = [0, 96], sizes = [16, 16], strides = [1, 1]} : vector<16x128xf32> to vector<16x16xf32>
    %mul3A_436 = vector.broadcast %broadcast_in_dim3A_434 : vector<16x1xf32> to vector<16x16xf32>
    %mul3A_437 = arith.mulf %mul3A_436, %slice3A_435 : vector<16x16xf32>
    %add3A_438 = arith.addf %add3A_428, %mul3A_437 : vector<16x16xf32>
    %eq3A_439 = arith.constant 7 : i32
    %eq3A_440 = vector.broadcast %eq3A_439 : i32 to vector<16xi32>
    %eq3A_441 = arith.cmpi eq, %get3A_366, %eq3A_440 : vector<16xi32>
    %convert_element_type3A_442 = arith.extui %eq3A_441 : vector<16xi1> to vector<16xi32>
    %convert_element_type3A_443 = arith.sitofp %convert_element_type3A_442 : vector<16xi32> to vector<16xf32>
    %broadcast_in_dim3A_444 = vector.shape_cast %convert_element_type3A_443 : vector<16xf32> to vector<16x1xf32>
    %slice3A_445 = vector.extract_strided_slice %get3A_362 {offsets = [0, 112], sizes = [16, 16], strides = [1, 1]} : vector<16x128xf32> to vector<16x16xf32>
    %mul3A_446 = vector.broadcast %broadcast_in_dim3A_444 : vector<16x1xf32> to vector<16x16xf32>
    %mul3A_447 = arith.mulf %mul3A_446, %slice3A_445 : vector<16x16xf32>
    %add3A_448 = arith.addf %add3A_438, %mul3A_447 : vector<16x16xf32>
    %get3A_449 = arith.constant 48 : index
    %get3A_450 = arith.constant 0 : index
    %get3A_451 = vector.load %arg10[%get3A_449, %get3A_450] : memref<64x128xf32, #tpu.memory_space<vmem>>, vector<16x128xf32>
    %dot_general3A_452 = arith.constant dense<0.000000e+00> : vector<16x128xf32>
    %dot_general3A_453 = tpu.matmul %add3A_448, %get3A_451, %dot_general3A_452 {dimension_numbers = #tpu.dot_dimension_numbers<[1], [0], [0], [1], [0, 0, 1, 1], [], []>, transpose_lhs_hint = false} : vector<16x16xf32>, vector<16x128xf32>, vector<16x128xf32> -> vector<16x128xf32>
    %add3A_454 = arith.addf %add3A_357, %dot_general3A_453 : vector<16x128xf32>
    %broadcast_in_dim3A_455 = vector.shape_cast %add3A_454 : vector<16x128xf32> to vector<16x1x128xf32>
    %reshape3A_456 = vector.shape_cast %add3A_63 : vector<3200x128xf32> to vector<16x200x128xf32>
    %concatenate3A = tpu.concatenate %broadcast_in_dim3A_455, %reshape3A_456 in 1 : vector<16x1x128xf32>, vector<16x200x128xf32> -> vector<16x201x128xf32>
    %reduce_sum3A = arith.constant dense<0.000000e+00> : vector<16x201xf32>
    %reduce_sum3A_457 = vector.multi_reduction <add>, %concatenate3A, %reduce_sum3A [2] : vector<16x201x128xf32> to vector<16x201xf32>
    %broadcast_in_dim3A_458 = vector.shape_cast %reduce_sum3A_457 : vector<16x201xf32> to vector<16x201x1xf32>
    %div3A = arith.constant 1.280000e+02 : f32
    %div3A_459 = vector.broadcast %div3A : f32 to vector<16x201x1xf32>
    %div3A_460 = arith.divf %broadcast_in_dim3A_458, %div3A_459 : vector<16x201x1xf32>
    %sub3A = vector.broadcast %div3A_460 : vector<16x201x1xf32> to vector<16x201x128xf32>
    %sub3A_461 = arith.subf %concatenate3A, %sub3A : vector<16x201x128xf32>
    %integer_pow3A = arith.mulf %sub3A_461, %sub3A_461 : vector<16x201x128xf32>
    %reduce_sum3A_462 = arith.constant dense<0.000000e+00> : vector<16x201xf32>
    %reduce_sum3A_463 = vector.multi_reduction <add>, %integer_pow3A, %reduce_sum3A_462 [2] : vector<16x201x128xf32> to vector<16x201xf32>
    %broadcast_in_dim3A_464 = vector.shape_cast %reduce_sum3A_463 : vector<16x201xf32> to vector<16x201x1xf32>
    %div3A_465 = arith.constant 1.280000e+02 : f32
    %div3A_466 = vector.broadcast %div3A_465 : f32 to vector<16x201x1xf32>
    %div3A_467 = arith.divf %broadcast_in_dim3A_464, %div3A_466 : vector<16x201x1xf32>
    %get3A_468 = arith.constant 0 : index
    %get3A_469 = arith.constant 0 : index
    %get3A_470 = vector.load %arg12[%get3A_468, %get3A_469] : memref<1x128xf32, #tpu.memory_space<vmem>>, vector<1x128xf32>
    %reshape3A_471 = vector.shape_cast %get3A_470 : vector<1x128xf32> to vector<1x1x128xf32>
    %get3A_472 = arith.constant 0 : index
    %get3A_473 = arith.constant 0 : index
    %get3A_474 = vector.load %arg13[%get3A_472, %get3A_473] : memref<1x128xf32, #tpu.memory_space<vmem>>, vector<1x128xf32>
    %reshape3A_475 = vector.shape_cast %get3A_474 : vector<1x128xf32> to vector<1x1x128xf32>
    %sub3A_476 = vector.broadcast %div3A_460 : vector<16x201x1xf32> to vector<16x201x128xf32>
    %sub3A_477 = arith.subf %concatenate3A, %sub3A_476 : vector<16x201x128xf32>
    %add3A_478 = arith.constant 9.99999996E-13 : f32
    %add3A_479 = vector.broadcast %add3A_478 : f32 to vector<16x201x1xf32>
    %add3A_480 = arith.addf %div3A_467, %add3A_479 : vector<16x201x1xf32>
    %rsqrt3A = math.rsqrt %add3A_480 : vector<16x201x1xf32>
    %mul3A_481 = vector.broadcast %rsqrt3A : vector<16x201x1xf32> to vector<16x201x128xf32>
    %mul3A_482 = arith.mulf %sub3A_477, %mul3A_481 : vector<16x201x128xf32>
    %mul3A_483 = vector.broadcast %reshape3A_471 : vector<1x1x128xf32> to vector<16x201x128xf32>
    %mul3A_484 = arith.mulf %mul3A_482, %mul3A_483 : vector<16x201x128xf32>
    %add3A_485 = vector.broadcast %reshape3A_475 : vector<1x1x128xf32> to vector<16x201x128xf32>
    %add3A_486 = arith.addf %mul3A_484, %add3A_485 : vector<16x201x128xf32>
    %swap3A = arith.constant 0 : index
    %swap3A_487 = arith.constant 0 : index
    %swap3A_488 = arith.constant 0 : index
    %swap3A_489 = vector.load %arg14[%swap3A, %swap3A_487, %swap3A_488] : memref<16x201x128xf32, #tpu.memory_space<vmem>>, vector<16x201x128xf32>
    tpu.vector_store %arg14[%swap3A, %swap3A_487, %swap3A_488], %add3A_486 {strides = array<i32>} : memref<16x201x128xf32, #tpu.memory_space<vmem>>, vector<16x201x128xf32>,
    return
  }
  func.func @transform_0(%arg0: i32) -> (i32, i32) {
    %c0_i32 = arith.constant 0 : i32
    %c0_i32_0 = arith.constant 0 : i32
    return %arg0, %c0_i32 : i32, i32
  }
  func.func @transform_1(%arg0: i32) -> (i32, i32) {
    %add3A = arith.constant 0 : i32
    %add3A_0 = arith.addi %arg0, %add3A : i32
    %c0_i32 = arith.constant 0 : i32
    %c0_i32_1 = arith.constant 0 : i32
    return %add3A_0, %c0_i32 : i32, i32
  }
  func.func @transform_2(%arg0: i32) -> (i32, i32) {
    %add3A = arith.constant 0 : i32
    %add3A_0 = arith.addi %arg0, %add3A : i32
    %c0_i32 = arith.constant 0 : i32
    %c0_i32_1 = arith.constant 0 : i32
    return %add3A_0, %c0_i32 : i32, i32
  }
  func.func @transform_3(%arg0: i32) -> (i32, i32) {
    %add3A = arith.constant 0 : i32
    %add3A_0 = arith.addi %arg0, %add3A : i32
    %c0_i32 = arith.constant 0 : i32
    %c0_i32_1 = arith.constant 0 : i32
    return %add3A_0, %c0_i32 : i32, i32
  }
  func.func @transform_4(%arg0: i32) -> (i32, i32, i32) {
    %c0_i32 = arith.constant 0 : i32
    %c0_i32_0 = arith.constant 0 : i32
    %c0_i32_1 = arith.constant 0 : i32
    return %c0_i32, %arg0, %c0_i32_0 : i32, i32, i32
  }
  func.func @transform_5(%arg0: i32) -> (i32, i32) {
    %add3A = arith.constant 0 : i32
    %add3A_0 = arith.addi %arg0, %add3A : i32
    %c0_i32 = arith.constant 0 : i32
    %c0_i32_1 = arith.constant 0 : i32
    return %add3A_0, %c0_i32 : i32, i32
  }
  func.func @transform_6(%arg0: i32) -> (i32, i32) {
    %c0_i32 = arith.constant 0 : i32
    %c0_i32_0 = arith.constant 0 : i32
    %c0_i32_1 = arith.constant 0 : i32
    return %c0_i32, %c0_i32_0 : i32, i32
  }
  func.func @transform_7(%arg0: i32) -> (i32, i32) {
    %c0_i32 = arith.constant 0 : i32
    %c0_i32_0 = arith.constant 0 : i32
    %c0_i32_1 = arith.constant 0 : i32
    return %c0_i32, %c0_i32_0 : i32, i32
  }
  func.func @transform_8(%arg0: i32) -> (i32, i32) {
    %c0_i32 = arith.constant 0 : i32
    %c0_i32_0 = arith.constant 0 : i32
    %c0_i32_1 = arith.constant 0 : i32
    return %c0_i32, %c0_i32_0 : i32, i32
  }
  func.func @transform_9(%arg0: i32) -> (i32, i32) {
    %c0_i32 = arith.constant 0 : i32
    %c0_i32_0 = arith.constant 0 : i32
    %c0_i32_1 = arith.constant 0 : i32
    return %c0_i32, %c0_i32_0 : i32, i32
  }
  func.func @transform_10(%arg0: i32) -> (i32, i32) {
    %c0_i32 = arith.constant 0 : i32
    %c0_i32_0 = arith.constant 0 : i32
    %c0_i32_1 = arith.constant 0 : i32
    return %c0_i32, %c0_i32_0 : i32, i32
  }
  func.func @transform_11(%arg0: i32) -> (i32, i32) {
    %c0_i32 = arith.constant 0 : i32
    %c0_i32_0 = arith.constant 0 : i32
    %c0_i32_1 = arith.constant 0 : i32
    return %c0_i32, %c0_i32_0 : i32, i32
  }
  func.func @transform_12(%arg0: i32) -> (i32, i32) {
    %c0_i32 = arith.constant 0 : i32
    %c0_i32_0 = arith.constant 0 : i32
    %c0_i32_1 = arith.constant 0 : i32
    return %c0_i32, %c0_i32_0 : i32, i32
  }
  func.func @transform_13(%arg0: i32) -> (i32, i32, i32) {
    %add3A = arith.constant 0 : i32
    %add3A_0 = arith.addi %arg0, %add3A : i32
    %c0_i32 = arith.constant 0 : i32
    %c0_i32_1 = arith.constant 0 : i32
    %c0_i32_2 = arith.constant 0 : i32
    return %add3A_0, %c0_i32, %c0_i32_1 : i32, i32, i32
  }
}

module attributes {stable_mosaic.version = 14 : i64} {
  func.func @_tc_body_h1(%arg0: i32, %arg1: memref<3200x128xf32, #tpu.memory_space<vmem>>, %arg2: memref<16x200xi32, #tpu.memory_space<vmem>>, %arg3: memref<16x200xi32, #tpu.memory_space<vmem>>, %arg4: memref<16x200xi32, #tpu.memory_space<vmem>>, %arg5: memref<4x16x128xf32, #tpu.memory_space<vmem>>, %arg6: memref<16x4xi32, #tpu.memory_space<vmem>>, %arg7: memref<256x128xbf16, #tpu.memory_space<vmem>>, %arg8: memref<512x128xbf16, #tpu.memory_space<vmem>>, %arg9: memref<256x128xbf16, #tpu.memory_space<vmem>>, %arg10: memref<64x128xf32, #tpu.memory_space<vmem>>, %arg11: memref<1x128xf32, #tpu.memory_space<vmem>>, %arg12: memref<1x128xf32, #tpu.memory_space<vmem>>, %arg13: memref<1x128xf32, #tpu.memory_space<vmem>>, %arg14: memref<1024x201x128xf32, #tpu.memory_space<any>>, %arg15: memref<16x201x128xf32, #tpu.memory_space<vmem>>) attributes {dimension_semantics = [#tpu.dimension_semantics<arbitrary>], iteration_bounds = array<i64: 32>, scalar_prefetch = 0 : i64, scratch_operands = 0 : i64, tpu.core_type = #tpu.core_type<tc>, window_params = [{transform_indices = @transform_0, window_bounds = array<i64: 3200, 128>}, {transform_indices = @transform_1, window_bounds = array<i64: 16, 200>}, {transform_indices = @transform_2, window_bounds = array<i64: 16, 200>}, {transform_indices = @transform_3, window_bounds = array<i64: 16, 200>}, {transform_indices = @transform_4, window_bounds = array<i64: 4, 16, 128>}, {transform_indices = @transform_5, window_bounds = array<i64: 16, 4>}, {pipeline_mode = #tpu.pipeline_mode<synchronous>, transform_indices = @transform_6, window_bounds = array<i64: 256, 128>}, {pipeline_mode = #tpu.pipeline_mode<synchronous>, transform_indices = @transform_7, window_bounds = array<i64: 512, 128>}, {pipeline_mode = #tpu.pipeline_mode<synchronous>, transform_indices = @transform_8, window_bounds = array<i64: 256, 128>}, {pipeline_mode = #tpu.pipeline_mode<synchronous>, transform_indices = @transform_9, window_bounds = array<i64: 64, 128>}, {pipeline_mode = #tpu.pipeline_mode<synchronous>, transform_indices = @transform_10, window_bounds = array<i64: 1, 128>}, {pipeline_mode = #tpu.pipeline_mode<synchronous>, transform_indices = @transform_11, window_bounds = array<i64: 1, 128>}, {pipeline_mode = #tpu.pipeline_mode<synchronous>, transform_indices = @transform_12, window_bounds = array<i64: 1, 128>}, {}, {transform_indices = @transform_14, window_bounds = array<i64: 16, 201, 128>}]} {
    %get3A = arith.constant 0 : index
    %get3A_0 = arith.constant 0 : index
    %get3A_1 = vector.load %arg1[%get3A, %get3A_0] : memref<3200x128xf32, #tpu.memory_space<vmem>>, vector<3200x128xf32>
    %get3A_2 = arith.constant 0 : index
    %get3A_3 = arith.constant 0 : index
    %get3A_4 = vector.load %arg2[%get3A_2, %get3A_3] : memref<16x200xi32, #tpu.memory_space<vmem>>, vector<16x200xi32>
    %broadcast_in_dim3A = vector.shape_cast %get3A_4 : vector<16x200xi32> to vector<16x200x1xi32>
    %iota3A = tpu.iota {dimensions = array<i32: 2>} : vector<16x200x128xi32>
    %eq3A = vector.broadcast %broadcast_in_dim3A : vector<16x200x1xi32> to vector<16x200x128xi32>
    %eq3A_5 = arith.cmpi eq, %eq3A, %iota3A : vector<16x200x128xi32>
    %convert_element_type3A = arith.extui %eq3A_5 : vector<16x200x128xi1> to vector<16x200x128xi32>
    %convert_element_type3A_6 = arith.sitofp %convert_element_type3A : vector<16x200x128xi32> to vector<16x200x128xf32>
    %convert_element_type3A_7 = arith.truncf %convert_element_type3A_6 : vector<16x200x128xf32> to vector<16x200x128xbf16>
    %reshape3A = vector.shape_cast %convert_element_type3A_7 : vector<16x200x128xbf16> to vector<3200x128xbf16>
    %get3A_8 = arith.constant 0 : index
    %get3A_9 = arith.constant 0 : index
    %get3A_10 = vector.load %arg7[%get3A_8, %get3A_9] : memref<256x128xbf16, #tpu.memory_space<vmem>>, vector<128x128xbf16>
    %dot_general3A = arith.constant dense<0.000000e+00> : vector<3200x128xf32>
    %dot_general3A_11 = tpu.matmul %reshape3A, %get3A_10, %dot_general3A {dimension_numbers = #tpu.dot_dimension_numbers<[1], [0], [0], [1], [0, 0, 1, 1], [], []>, transpose_lhs_hint = false} : vector<3200x128xbf16>, vector<128x128xbf16>, vector<3200x128xf32> -> vector<3200x128xf32>
    %get3A_12 = arith.constant 128 : index
    %get3A_13 = arith.constant 0 : index
    %get3A_14 = vector.load %arg7[%get3A_12, %get3A_13] : memref<256x128xbf16, #tpu.memory_space<vmem>>, vector<128x128xbf16>
    %dot_general3A_15 = arith.constant dense<0.000000e+00> : vector<3200x128xf32>
    %dot_general3A_16 = tpu.matmul %reshape3A, %get3A_14, %dot_general3A_15 {dimension_numbers = #tpu.dot_dimension_numbers<[1], [0], [0], [1], [0, 0, 1, 1], [], []>, transpose_lhs_hint = false} : vector<3200x128xbf16>, vector<128x128xbf16>, vector<3200x128xf32> -> vector<3200x128xf32>
    %add3A = arith.addf %dot_general3A_11, %dot_general3A_16 : vector<3200x128xf32>
    %add3A_17 = arith.addf %get3A_1, %add3A : vector<3200x128xf32>
    %get3A_18 = arith.constant 0 : index
    %get3A_19 = arith.constant 0 : index
    %get3A_20 = vector.load %arg4[%get3A_18, %get3A_19] : memref<16x200xi32, #tpu.memory_space<vmem>>, vector<16x200xi32>
    %broadcast_in_dim3A_21 = vector.shape_cast %get3A_20 : vector<16x200xi32> to vector<16x200x1xi32>
    %iota3A_22 = tpu.iota {dimensions = array<i32: 2>} : vector<16x200x128xi32>
    %eq3A_23 = vector.broadcast %broadcast_in_dim3A_21 : vector<16x200x1xi32> to vector<16x200x128xi32>
    %eq3A_24 = arith.cmpi eq, %eq3A_23, %iota3A_22 : vector<16x200x128xi32>
    %convert_element_type3A_25 = arith.extui %eq3A_24 : vector<16x200x128xi1> to vector<16x200x128xi32>
    %convert_element_type3A_26 = arith.sitofp %convert_element_type3A_25 : vector<16x200x128xi32> to vector<16x200x128xf32>
    %convert_element_type3A_27 = arith.truncf %convert_element_type3A_26 : vector<16x200x128xf32> to vector<16x200x128xbf16>
    %reshape3A_28 = vector.shape_cast %convert_element_type3A_27 : vector<16x200x128xbf16> to vector<3200x128xbf16>
    %get3A_29 = arith.constant 0 : index
    %get3A_30 = arith.constant 0 : index
    %get3A_31 = vector.load %arg9[%get3A_29, %get3A_30] : memref<256x128xbf16, #tpu.memory_space<vmem>>, vector<128x128xbf16>
    %dot_general3A_32 = arith.constant dense<0.000000e+00> : vector<3200x128xf32>
    %dot_general3A_33 = tpu.matmul %reshape3A_28, %get3A_31, %dot_general3A_32 {dimension_numbers = #tpu.dot_dimension_numbers<[1], [0], [0], [1], [0, 0, 1, 1], [], []>, transpose_lhs_hint = false} : vector<3200x128xbf16>, vector<128x128xbf16>, vector<3200x128xf32> -> vector<3200x128xf32>
    %get3A_34 = arith.constant 128 : index
    %get3A_35 = arith.constant 0 : index
    %get3A_36 = vector.load %arg9[%get3A_34, %get3A_35] : memref<256x128xbf16, #tpu.memory_space<vmem>>, vector<128x128xbf16>
    %dot_general3A_37 = arith.constant dense<0.000000e+00> : vector<3200x128xf32>
    %dot_general3A_38 = tpu.matmul %reshape3A_28, %get3A_36, %dot_general3A_37 {dimension_numbers = #tpu.dot_dimension_numbers<[1], [0], [0], [1], [0, 0, 1, 1], [], []>, transpose_lhs_hint = false} : vector<3200x128xbf16>, vector<128x128xbf16>, vector<3200x128xf32> -> vector<3200x128xf32>
    %add3A_39 = arith.addf %dot_general3A_33, %dot_general3A_38 : vector<3200x128xf32>
    %add3A_40 = arith.addf %add3A_17, %add3A_39 : vector<3200x128xf32>
    %get3A_41 = arith.constant 0 : index
    %get3A_42 = arith.constant 0 : index
    %get3A_43 = vector.load %arg3[%get3A_41, %get3A_42] : memref<16x200xi32, #tpu.memory_space<vmem>>, vector<16x200xi32>
    %broadcast_in_dim3A_44 = vector.shape_cast %get3A_43 : vector<16x200xi32> to vector<16x200x1xi32>
    %iota3A_45 = tpu.iota {dimensions = array<i32: 2>} : vector<16x200x256xi32>
    %eq3A_46 = vector.broadcast %broadcast_in_dim3A_44 : vector<16x200x1xi32> to vector<16x200x256xi32>
    %eq3A_47 = arith.cmpi eq, %eq3A_46, %iota3A_45 : vector<16x200x256xi32>
    %convert_element_type3A_48 = arith.extui %eq3A_47 : vector<16x200x256xi1> to vector<16x200x256xi32>
    %convert_element_type3A_49 = arith.sitofp %convert_element_type3A_48 : vector<16x200x256xi32> to vector<16x200x256xf32>
    %convert_element_type3A_50 = arith.truncf %convert_element_type3A_49 : vector<16x200x256xf32> to vector<16x200x256xbf16>
    %reshape3A_51 = vector.shape_cast %convert_element_type3A_50 : vector<16x200x256xbf16> to vector<3200x256xbf16>
    %get3A_52 = arith.constant 0 : index
    %get3A_53 = arith.constant 0 : index
    %get3A_54 = vector.load %arg8[%get3A_52, %get3A_53] : memref<512x128xbf16, #tpu.memory_space<vmem>>, vector<256x128xbf16>
    %dot_general3A_55 = arith.constant dense<0.000000e+00> : vector<3200x128xf32>
    %dot_general3A_56 = tpu.matmul %reshape3A_51, %get3A_54, %dot_general3A_55 {dimension_numbers = #tpu.dot_dimension_numbers<[1], [0], [0], [1], [0, 0, 1, 1], [], []>, transpose_lhs_hint = false} : vector<3200x256xbf16>, vector<256x128xbf16>, vector<3200x128xf32> -> vector<3200x128xf32>
    %get3A_57 = arith.constant 256 : index
    %get3A_58 = arith.constant 0 : index
    %get3A_59 = vector.load %arg8[%get3A_57, %get3A_58] : memref<512x128xbf16, #tpu.memory_space<vmem>>, vector<256x128xbf16>
    %dot_general3A_60 = arith.constant dense<0.000000e+00> : vector<3200x128xf32>
    %dot_general3A_61 = tpu.matmul %reshape3A_51, %get3A_59, %dot_general3A_60 {dimension_numbers = #tpu.dot_dimension_numbers<[1], [0], [0], [1], [0, 0, 1, 1], [], []>, transpose_lhs_hint = false} : vector<3200x256xbf16>, vector<256x128xbf16>, vector<3200x128xf32> -> vector<3200x128xf32>
    %add3A_62 = arith.addf %dot_general3A_56, %dot_general3A_61 : vector<3200x128xf32>
    %add3A_63 = arith.addf %add3A_40, %add3A_62 : vector<3200x128xf32>
    %get3A_64 = arith.constant 0 : index
    %get3A_65 = arith.constant 0 : index
    %get3A_66 = vector.load %arg11[%get3A_64, %get3A_65] : memref<1x128xf32, #tpu.memory_space<vmem>>, vector<1x128xf32>
    %broadcast_in_dim3A_67 = vector.shape_cast %get3A_66 : vector<1x128xf32> to vector<1x128xf32>
    %broadcast_in_dim3A_68 = vector.broadcast %broadcast_in_dim3A_67 : vector<1x128xf32> to vector<16x128xf32>
    %get3A_69 = arith.constant 0 : index
    %get3A_70 = arith.constant 0 : index
    %get3A_71 = arith.constant 0 : index
    %get3A_72 = vector.load %arg5[%get3A_69, %get3A_70, %get3A_71] : memref<4x16x128xf32, #tpu.memory_space<vmem>>, vector<1x16x128xf32>
    %get3A_73 = vector.shape_cast %get3A_72 : vector<1x16x128xf32> to vector<16x128xf32>
    %get3A_74 = arith.constant 0 : index
    %get3A_75 = arith.constant 0 : index
    %get3A_76 = vector.load %arg6[%get3A_74, %get3A_75] : memref<16x4xi32, #tpu.memory_space<vmem>>, vector<16x1xi32>
    %get3A_77 = vector.shape_cast %get3A_76 : vector<16x1xi32> to vector<16xi32>
    %broadcast_in_dim3A_78 = arith.constant 0.000000e+00 : f32
    %broadcast_in_dim3A_79 = vector.broadcast %broadcast_in_dim3A_78 : f32 to vector<16x16xf32>
    %eq3A_80 = arith.constant 0 : i32
    %eq3A_81 = vector.broadcast %eq3A_80 : i32 to vector<16xi32>
    %eq3A_82 = arith.cmpi eq, %get3A_77, %eq3A_81 : vector<16xi32>
    %convert_element_type3A_83 = arith.extui %eq3A_82 : vector<16xi1> to vector<16xi32>
    %convert_element_type3A_84 = arith.sitofp %convert_element_type3A_83 : vector<16xi32> to vector<16xf32>
    %broadcast_in_dim3A_85 = vector.shape_cast %convert_element_type3A_84 : vector<16xf32> to vector<16x1xf32>
    %slice3A = vector.extract_strided_slice %get3A_73 {offsets = [0, 0], sizes = [16, 16], strides = [1, 1]} : vector<16x128xf32> to vector<16x16xf32>
    %mul3A = vector.broadcast %broadcast_in_dim3A_85 : vector<16x1xf32> to vector<16x16xf32>
    %mul3A_86 = arith.mulf %mul3A, %slice3A : vector<16x16xf32>
    %add3A_87 = arith.addf %broadcast_in_dim3A_79, %mul3A_86 : vector<16x16xf32>
    %eq3A_88 = arith.constant 1 : i32
    %eq3A_89 = vector.broadcast %eq3A_88 : i32 to vector<16xi32>
    %eq3A_90 = arith.cmpi eq, %get3A_77, %eq3A_89 : vector<16xi32>
    %convert_element_type3A_91 = arith.extui %eq3A_90 : vector<16xi1> to vector<16xi32>
    %convert_element_type3A_92 = arith.sitofp %convert_element_type3A_91 : vector<16xi32> to vector<16xf32>
    %broadcast_in_dim3A_93 = vector.shape_cast %convert_element_type3A_92 : vector<16xf32> to vector<16x1xf32>
    %slice3A_94 = vector.extract_strided_slice %get3A_73 {offsets = [0, 16], sizes = [16, 16], strides = [1, 1]} : vector<16x128xf32> to vector<16x16xf32>
    %mul3A_95 = vector.broadcast %broadcast_in_dim3A_93 : vector<16x1xf32> to vector<16x16xf32>
    %mul3A_96 = arith.mulf %mul3A_95, %slice3A_94 : vector<16x16xf32>
    %add3A_97 = arith.addf %add3A_87, %mul3A_96 : vector<16x16xf32>
    %eq3A_98 = arith.constant 2 : i32
    %eq3A_99 = vector.broadcast %eq3A_98 : i32 to vector<16xi32>
    %eq3A_100 = arith.cmpi eq, %get3A_77, %eq3A_99 : vector<16xi32>
    %convert_element_type3A_101 = arith.extui %eq3A_100 : vector<16xi1> to vector<16xi32>
    %convert_element_type3A_102 = arith.sitofp %convert_element_type3A_101 : vector<16xi32> to vector<16xf32>
    %broadcast_in_dim3A_103 = vector.shape_cast %convert_element_type3A_102 : vector<16xf32> to vector<16x1xf32>
    %slice3A_104 = vector.extract_strided_slice %get3A_73 {offsets = [0, 32], sizes = [16, 16], strides = [1, 1]} : vector<16x128xf32> to vector<16x16xf32>
    %mul3A_105 = vector.broadcast %broadcast_in_dim3A_103 : vector<16x1xf32> to vector<16x16xf32>
    %mul3A_106 = arith.mulf %mul3A_105, %slice3A_104 : vector<16x16xf32>
    %add3A_107 = arith.addf %add3A_97, %mul3A_106 : vector<16x16xf32>
    %eq3A_108 = arith.constant 3 : i32
    %eq3A_109 = vector.broadcast %eq3A_108 : i32 to vector<16xi32>
    %eq3A_110 = arith.cmpi eq, %get3A_77, %eq3A_109 : vector<16xi32>
    %convert_element_type3A_111 = arith.extui %eq3A_110 : vector<16xi1> to vector<16xi32>
    %convert_element_type3A_112 = arith.sitofp %convert_element_type3A_111 : vector<16xi32> to vector<16xf32>
    %broadcast_in_dim3A_113 = vector.shape_cast %convert_element_type3A_112 : vector<16xf32> to vector<16x1xf32>
    %slice3A_114 = vector.extract_strided_slice %get3A_73 {offsets = [0, 48], sizes = [16, 16], strides = [1, 1]} : vector<16x128xf32> to vector<16x16xf32>
    %mul3A_115 = vector.broadcast %broadcast_in_dim3A_113 : vector<16x1xf32> to vector<16x16xf32>
    %mul3A_116 = arith.mulf %mul3A_115, %slice3A_114 : vector<16x16xf32>
    %add3A_117 = arith.addf %add3A_107, %mul3A_116 : vector<16x16xf32>
    %eq3A_118 = arith.constant 4 : i32
    %eq3A_119 = vector.broadcast %eq3A_118 : i32 to vector<16xi32>
    %eq3A_120 = arith.cmpi eq, %get3A_77, %eq3A_119 : vector<16xi32>
    %convert_element_type3A_121 = arith.extui %eq3A_120 : vector<16xi1> to vector<16xi32>
    %convert_element_type3A_122 = arith.sitofp %convert_element_type3A_121 : vector<16xi32> to vector<16xf32>
    %broadcast_in_dim3A_123 = vector.shape_cast %convert_element_type3A_122 : vector<16xf32> to vector<16x1xf32>
    %slice3A_124 = vector.extract_strided_slice %get3A_73 {offsets = [0, 64], sizes = [16, 16], strides = [1, 1]} : vector<16x128xf32> to vector<16x16xf32>
    %mul3A_125 = vector.broadcast %broadcast_in_dim3A_123 : vector<16x1xf32> to vector<16x16xf32>
    %mul3A_126 = arith.mulf %mul3A_125, %slice3A_124 : vector<16x16xf32>
    %add3A_127 = arith.addf %add3A_117, %mul3A_126 : vector<16x16xf32>
    %eq3A_128 = arith.constant 5 : i32
    %eq3A_129 = vector.broadcast %eq3A_128 : i32 to vector<16xi32>
    %eq3A_130 = arith.cmpi eq, %get3A_77, %eq3A_129 : vector<16xi32>
    %convert_element_type3A_131 = arith.extui %eq3A_130 : vector<16xi1> to vector<16xi32>
    %convert_element_type3A_132 = arith.sitofp %convert_element_type3A_131 : vector<16xi32> to vector<16xf32>
    %broadcast_in_dim3A_133 = vector.shape_cast %convert_element_type3A_132 : vector<16xf32> to vector<16x1xf32>
    %slice3A_134 = vector.extract_strided_slice %get3A_73 {offsets = [0, 80], sizes = [16, 16], strides = [1, 1]} : vector<16x128xf32> to vector<16x16xf32>
    %mul3A_135 = vector.broadcast %broadcast_in_dim3A_133 : vector<16x1xf32> to vector<16x16xf32>
    %mul3A_136 = arith.mulf %mul3A_135, %slice3A_134 : vector<16x16xf32>
    %add3A_137 = arith.addf %add3A_127, %mul3A_136 : vector<16x16xf32>
    %eq3A_138 = arith.constant 6 : i32
    %eq3A_139 = vector.broadcast %eq3A_138 : i32 to vector<16xi32>
    %eq3A_140 = arith.cmpi eq, %get3A_77, %eq3A_139 : vector<16xi32>
    %convert_element_type3A_141 = arith.extui %eq3A_140 : vector<16xi1> to vector<16xi32>
    %convert_element_type3A_142 = arith.sitofp %convert_element_type3A_141 : vector<16xi32> to vector<16xf32>
    %broadcast_in_dim3A_143 = vector.shape_cast %convert_element_type3A_142 : vector<16xf32> to vector<16x1xf32>
    %slice3A_144 = vector.extract_strided_slice %get3A_73 {offsets = [0, 96], sizes = [16, 16], strides = [1, 1]} : vector<16x128xf32> to vector<16x16xf32>
    %mul3A_145 = vector.broadcast %broadcast_in_dim3A_143 : vector<16x1xf32> to vector<16x16xf32>
    %mul3A_146 = arith.mulf %mul3A_145, %slice3A_144 : vector<16x16xf32>
    %add3A_147 = arith.addf %add3A_137, %mul3A_146 : vector<16x16xf32>
    %eq3A_148 = arith.constant 7 : i32
    %eq3A_149 = vector.broadcast %eq3A_148 : i32 to vector<16xi32>
    %eq3A_150 = arith.cmpi eq, %get3A_77, %eq3A_149 : vector<16xi32>
    %convert_element_type3A_151 = arith.extui %eq3A_150 : vector<16xi1> to vector<16xi32>
    %convert_element_type3A_152 = arith.sitofp %convert_element_type3A_151 : vector<16xi32> to vector<16xf32>
    %broadcast_in_dim3A_153 = vector.shape_cast %convert_element_type3A_152 : vector<16xf32> to vector<16x1xf32>
    %slice3A_154 = vector.extract_strided_slice %get3A_73 {offsets = [0, 112], sizes = [16, 16], strides = [1, 1]} : vector<16x128xf32> to vector<16x16xf32>
    %mul3A_155 = vector.broadcast %broadcast_in_dim3A_153 : vector<16x1xf32> to vector<16x16xf32>
    %mul3A_156 = arith.mulf %mul3A_155, %slice3A_154 : vector<16x16xf32>
    %add3A_157 = arith.addf %add3A_147, %mul3A_156 : vector<16x16xf32>
    %get3A_158 = arith.constant 0 : index
    %get3A_159 = arith.constant 0 : index
    %get3A_160 = vector.load %arg10[%get3A_158, %get3A_159] : memref<64x128xf32, #tpu.memory_space<vmem>>, vector<16x128xf32>
    %dot_general3A_161 = arith.constant dense<0.000000e+00> : vector<16x128xf32>
    %dot_general3A_162 = tpu.matmul %add3A_157, %get3A_160, %dot_general3A_161 {dimension_numbers = #tpu.dot_dimension_numbers<[1], [0], [0], [1], [0, 0, 1, 1], [], []>, transpose_lhs_hint = false} : vector<16x16xf32>, vector<16x128xf32>, vector<16x128xf32> -> vector<16x128xf32>
    %add3A_163 = arith.addf %broadcast_in_dim3A_68, %dot_general3A_162 : vector<16x128xf32>
    %get3A_164 = arith.constant 1 : index
    %get3A_165 = arith.constant 0 : index
    %get3A_166 = arith.constant 0 : index
    %get3A_167 = vector.load %arg5[%get3A_164, %get3A_165, %get3A_166] : memref<4x16x128xf32, #tpu.memory_space<vmem>>, vector<1x16x128xf32>
    %get3A_168 = vector.shape_cast %get3A_167 : vector<1x16x128xf32> to vector<16x128xf32>
    %get3A_169 = arith.constant 0 : index
    %get3A_170 = arith.constant 1 : index
    %get3A_171 = vector.load %arg6[%get3A_169, %get3A_170] : memref<16x4xi32, #tpu.memory_space<vmem>>, vector<16x1xi32>
    %get3A_172 = vector.shape_cast %get3A_171 : vector<16x1xi32> to vector<16xi32>
    %broadcast_in_dim3A_173 = arith.constant 0.000000e+00 : f32
    %broadcast_in_dim3A_174 = vector.broadcast %broadcast_in_dim3A_173 : f32 to vector<16x16xf32>
    %eq3A_175 = arith.constant 0 : i32
    %eq3A_176 = vector.broadcast %eq3A_175 : i32 to vector<16xi32>
    %eq3A_177 = arith.cmpi eq, %get3A_172, %eq3A_176 : vector<16xi32>
    %convert_element_type3A_178 = arith.extui %eq3A_177 : vector<16xi1> to vector<16xi32>
    %convert_element_type3A_179 = arith.sitofp %convert_element_type3A_178 : vector<16xi32> to vector<16xf32>
    %broadcast_in_dim3A_180 = vector.shape_cast %convert_element_type3A_179 : vector<16xf32> to vector<16x1xf32>
    %slice3A_181 = vector.extract_strided_slice %get3A_168 {offsets = [0, 0], sizes = [16, 16], strides = [1, 1]} : vector<16x128xf32> to vector<16x16xf32>
    %mul3A_182 = vector.broadcast %broadcast_in_dim3A_180 : vector<16x1xf32> to vector<16x16xf32>
    %mul3A_183 = arith.mulf %mul3A_182, %slice3A_181 : vector<16x16xf32>
    %add3A_184 = arith.addf %broadcast_in_dim3A_174, %mul3A_183 : vector<16x16xf32>
    %eq3A_185 = arith.constant 1 : i32
    %eq3A_186 = vector.broadcast %eq3A_185 : i32 to vector<16xi32>
    %eq3A_187 = arith.cmpi eq, %get3A_172, %eq3A_186 : vector<16xi32>
    %convert_element_type3A_188 = arith.extui %eq3A_187 : vector<16xi1> to vector<16xi32>
    %convert_element_type3A_189 = arith.sitofp %convert_element_type3A_188 : vector<16xi32> to vector<16xf32>
    %broadcast_in_dim3A_190 = vector.shape_cast %convert_element_type3A_189 : vector<16xf32> to vector<16x1xf32>
    %slice3A_191 = vector.extract_strided_slice %get3A_168 {offsets = [0, 16], sizes = [16, 16], strides = [1, 1]} : vector<16x128xf32> to vector<16x16xf32>
    %mul3A_192 = vector.broadcast %broadcast_in_dim3A_190 : vector<16x1xf32> to vector<16x16xf32>
    %mul3A_193 = arith.mulf %mul3A_192, %slice3A_191 : vector<16x16xf32>
    %add3A_194 = arith.addf %add3A_184, %mul3A_193 : vector<16x16xf32>
    %eq3A_195 = arith.constant 2 : i32
    %eq3A_196 = vector.broadcast %eq3A_195 : i32 to vector<16xi32>
    %eq3A_197 = arith.cmpi eq, %get3A_172, %eq3A_196 : vector<16xi32>
    %convert_element_type3A_198 = arith.extui %eq3A_197 : vector<16xi1> to vector<16xi32>
    %convert_element_type3A_199 = arith.sitofp %convert_element_type3A_198 : vector<16xi32> to vector<16xf32>
    %broadcast_in_dim3A_200 = vector.shape_cast %convert_element_type3A_199 : vector<16xf32> to vector<16x1xf32>
    %slice3A_201 = vector.extract_strided_slice %get3A_168 {offsets = [0, 32], sizes = [16, 16], strides = [1, 1]} : vector<16x128xf32> to vector<16x16xf32>
    %mul3A_202 = vector.broadcast %broadcast_in_dim3A_200 : vector<16x1xf32> to vector<16x16xf32>
    %mul3A_203 = arith.mulf %mul3A_202, %slice3A_201 : vector<16x16xf32>
    %add3A_204 = arith.addf %add3A_194, %mul3A_203 : vector<16x16xf32>
    %eq3A_205 = arith.constant 3 : i32
    %eq3A_206 = vector.broadcast %eq3A_205 : i32 to vector<16xi32>
    %eq3A_207 = arith.cmpi eq, %get3A_172, %eq3A_206 : vector<16xi32>
    %convert_element_type3A_208 = arith.extui %eq3A_207 : vector<16xi1> to vector<16xi32>
    %convert_element_type3A_209 = arith.sitofp %convert_element_type3A_208 : vector<16xi32> to vector<16xf32>
    %broadcast_in_dim3A_210 = vector.shape_cast %convert_element_type3A_209 : vector<16xf32> to vector<16x1xf32>
    %slice3A_211 = vector.extract_strided_slice %get3A_168 {offsets = [0, 48], sizes = [16, 16], strides = [1, 1]} : vector<16x128xf32> to vector<16x16xf32>
    %mul3A_212 = vector.broadcast %broadcast_in_dim3A_210 : vector<16x1xf32> to vector<16x16xf32>
    %mul3A_213 = arith.mulf %mul3A_212, %slice3A_211 : vector<16x16xf32>
    %add3A_214 = arith.addf %add3A_204, %mul3A_213 : vector<16x16xf32>
    %eq3A_215 = arith.constant 4 : i32
    %eq3A_216 = vector.broadcast %eq3A_215 : i32 to vector<16xi32>
    %eq3A_217 = arith.cmpi eq, %get3A_172, %eq3A_216 : vector<16xi32>
    %convert_element_type3A_218 = arith.extui %eq3A_217 : vector<16xi1> to vector<16xi32>
    %convert_element_type3A_219 = arith.sitofp %convert_element_type3A_218 : vector<16xi32> to vector<16xf32>
    %broadcast_in_dim3A_220 = vector.shape_cast %convert_element_type3A_219 : vector<16xf32> to vector<16x1xf32>
    %slice3A_221 = vector.extract_strided_slice %get3A_168 {offsets = [0, 64], sizes = [16, 16], strides = [1, 1]} : vector<16x128xf32> to vector<16x16xf32>
    %mul3A_222 = vector.broadcast %broadcast_in_dim3A_220 : vector<16x1xf32> to vector<16x16xf32>
    %mul3A_223 = arith.mulf %mul3A_222, %slice3A_221 : vector<16x16xf32>
    %add3A_224 = arith.addf %add3A_214, %mul3A_223 : vector<16x16xf32>
    %eq3A_225 = arith.constant 5 : i32
    %eq3A_226 = vector.broadcast %eq3A_225 : i32 to vector<16xi32>
    %eq3A_227 = arith.cmpi eq, %get3A_172, %eq3A_226 : vector<16xi32>
    %convert_element_type3A_228 = arith.extui %eq3A_227 : vector<16xi1> to vector<16xi32>
    %convert_element_type3A_229 = arith.sitofp %convert_element_type3A_228 : vector<16xi32> to vector<16xf32>
    %broadcast_in_dim3A_230 = vector.shape_cast %convert_element_type3A_229 : vector<16xf32> to vector<16x1xf32>
    %slice3A_231 = vector.extract_strided_slice %get3A_168 {offsets = [0, 80], sizes = [16, 16], strides = [1, 1]} : vector<16x128xf32> to vector<16x16xf32>
    %mul3A_232 = vector.broadcast %broadcast_in_dim3A_230 : vector<16x1xf32> to vector<16x16xf32>
    %mul3A_233 = arith.mulf %mul3A_232, %slice3A_231 : vector<16x16xf32>
    %add3A_234 = arith.addf %add3A_224, %mul3A_233 : vector<16x16xf32>
    %eq3A_235 = arith.constant 6 : i32
    %eq3A_236 = vector.broadcast %eq3A_235 : i32 to vector<16xi32>
    %eq3A_237 = arith.cmpi eq, %get3A_172, %eq3A_236 : vector<16xi32>
    %convert_element_type3A_238 = arith.extui %eq3A_237 : vector<16xi1> to vector<16xi32>
    %convert_element_type3A_239 = arith.sitofp %convert_element_type3A_238 : vector<16xi32> to vector<16xf32>
    %broadcast_in_dim3A_240 = vector.shape_cast %convert_element_type3A_239 : vector<16xf32> to vector<16x1xf32>
    %slice3A_241 = vector.extract_strided_slice %get3A_168 {offsets = [0, 96], sizes = [16, 16], strides = [1, 1]} : vector<16x128xf32> to vector<16x16xf32>
    %mul3A_242 = vector.broadcast %broadcast_in_dim3A_240 : vector<16x1xf32> to vector<16x16xf32>
    %mul3A_243 = arith.mulf %mul3A_242, %slice3A_241 : vector<16x16xf32>
    %add3A_244 = arith.addf %add3A_234, %mul3A_243 : vector<16x16xf32>
    %eq3A_245 = arith.constant 7 : i32
    %eq3A_246 = vector.broadcast %eq3A_245 : i32 to vector<16xi32>
    %eq3A_247 = arith.cmpi eq, %get3A_172, %eq3A_246 : vector<16xi32>
    %convert_element_type3A_248 = arith.extui %eq3A_247 : vector<16xi1> to vector<16xi32>
    %convert_element_type3A_249 = arith.sitofp %convert_element_type3A_248 : vector<16xi32> to vector<16xf32>
    %broadcast_in_dim3A_250 = vector.shape_cast %convert_element_type3A_249 : vector<16xf32> to vector<16x1xf32>
    %slice3A_251 = vector.extract_strided_slice %get3A_168 {offsets = [0, 112], sizes = [16, 16], strides = [1, 1]} : vector<16x128xf32> to vector<16x16xf32>
    %mul3A_252 = vector.broadcast %broadcast_in_dim3A_250 : vector<16x1xf32> to vector<16x16xf32>
    %mul3A_253 = arith.mulf %mul3A_252, %slice3A_251 : vector<16x16xf32>
    %add3A_254 = arith.addf %add3A_244, %mul3A_253 : vector<16x16xf32>
    %get3A_255 = arith.constant 16 : index
    %get3A_256 = arith.constant 0 : index
    %get3A_257 = vector.load %arg10[%get3A_255, %get3A_256] : memref<64x128xf32, #tpu.memory_space<vmem>>, vector<16x128xf32>
    %dot_general3A_258 = arith.constant dense<0.000000e+00> : vector<16x128xf32>
    %dot_general3A_259 = tpu.matmul %add3A_254, %get3A_257, %dot_general3A_258 {dimension_numbers = #tpu.dot_dimension_numbers<[1], [0], [0], [1], [0, 0, 1, 1], [], []>, transpose_lhs_hint = false} : vector<16x16xf32>, vector<16x128xf32>, vector<16x128xf32> -> vector<16x128xf32>
    %add3A_260 = arith.addf %add3A_163, %dot_general3A_259 : vector<16x128xf32>
    %get3A_261 = arith.constant 2 : index
    %get3A_262 = arith.constant 0 : index
    %get3A_263 = arith.constant 0 : index
    %get3A_264 = vector.load %arg5[%get3A_261, %get3A_262, %get3A_263] : memref<4x16x128xf32, #tpu.memory_space<vmem>>, vector<1x16x128xf32>
    %get3A_265 = vector.shape_cast %get3A_264 : vector<1x16x128xf32> to vector<16x128xf32>
    %get3A_266 = arith.constant 0 : index
    %get3A_267 = arith.constant 2 : index
    %get3A_268 = vector.load %arg6[%get3A_266, %get3A_267] : memref<16x4xi32, #tpu.memory_space<vmem>>, vector<16x1xi32>
    %get3A_269 = vector.shape_cast %get3A_268 : vector<16x1xi32> to vector<16xi32>
    %broadcast_in_dim3A_270 = arith.constant 0.000000e+00 : f32
    %broadcast_in_dim3A_271 = vector.broadcast %broadcast_in_dim3A_270 : f32 to vector<16x16xf32>
    %eq3A_272 = arith.constant 0 : i32
    %eq3A_273 = vector.broadcast %eq3A_272 : i32 to vector<16xi32>
    %eq3A_274 = arith.cmpi eq, %get3A_269, %eq3A_273 : vector<16xi32>
    %convert_element_type3A_275 = arith.extui %eq3A_274 : vector<16xi1> to vector<16xi32>
    %convert_element_type3A_276 = arith.sitofp %convert_element_type3A_275 : vector<16xi32> to vector<16xf32>
    %broadcast_in_dim3A_277 = vector.shape_cast %convert_element_type3A_276 : vector<16xf32> to vector<16x1xf32>
    %slice3A_278 = vector.extract_strided_slice %get3A_265 {offsets = [0, 0], sizes = [16, 16], strides = [1, 1]} : vector<16x128xf32> to vector<16x16xf32>
    %mul3A_279 = vector.broadcast %broadcast_in_dim3A_277 : vector<16x1xf32> to vector<16x16xf32>
    %mul3A_280 = arith.mulf %mul3A_279, %slice3A_278 : vector<16x16xf32>
    %add3A_281 = arith.addf %broadcast_in_dim3A_271, %mul3A_280 : vector<16x16xf32>
    %eq3A_282 = arith.constant 1 : i32
    %eq3A_283 = vector.broadcast %eq3A_282 : i32 to vector<16xi32>
    %eq3A_284 = arith.cmpi eq, %get3A_269, %eq3A_283 : vector<16xi32>
    %convert_element_type3A_285 = arith.extui %eq3A_284 : vector<16xi1> to vector<16xi32>
    %convert_element_type3A_286 = arith.sitofp %convert_element_type3A_285 : vector<16xi32> to vector<16xf32>
    %broadcast_in_dim3A_287 = vector.shape_cast %convert_element_type3A_286 : vector<16xf32> to vector<16x1xf32>
    %slice3A_288 = vector.extract_strided_slice %get3A_265 {offsets = [0, 16], sizes = [16, 16], strides = [1, 1]} : vector<16x128xf32> to vector<16x16xf32>
    %mul3A_289 = vector.broadcast %broadcast_in_dim3A_287 : vector<16x1xf32> to vector<16x16xf32>
    %mul3A_290 = arith.mulf %mul3A_289, %slice3A_288 : vector<16x16xf32>
    %add3A_291 = arith.addf %add3A_281, %mul3A_290 : vector<16x16xf32>
    %eq3A_292 = arith.constant 2 : i32
    %eq3A_293 = vector.broadcast %eq3A_292 : i32 to vector<16xi32>
    %eq3A_294 = arith.cmpi eq, %get3A_269, %eq3A_293 : vector<16xi32>
    %convert_element_type3A_295 = arith.extui %eq3A_294 : vector<16xi1> to vector<16xi32>
    %convert_element_type3A_296 = arith.sitofp %convert_element_type3A_295 : vector<16xi32> to vector<16xf32>
    %broadcast_in_dim3A_297 = vector.shape_cast %convert_element_type3A_296 : vector<16xf32> to vector<16x1xf32>
    %slice3A_298 = vector.extract_strided_slice %get3A_265 {offsets = [0, 32], sizes = [16, 16], strides = [1, 1]} : vector<16x128xf32> to vector<16x16xf32>
    %mul3A_299 = vector.broadcast %broadcast_in_dim3A_297 : vector<16x1xf32> to vector<16x16xf32>
    %mul3A_300 = arith.mulf %mul3A_299, %slice3A_298 : vector<16x16xf32>
    %add3A_301 = arith.addf %add3A_291, %mul3A_300 : vector<16x16xf32>
    %eq3A_302 = arith.constant 3 : i32
    %eq3A_303 = vector.broadcast %eq3A_302 : i32 to vector<16xi32>
    %eq3A_304 = arith.cmpi eq, %get3A_269, %eq3A_303 : vector<16xi32>
    %convert_element_type3A_305 = arith.extui %eq3A_304 : vector<16xi1> to vector<16xi32>
    %convert_element_type3A_306 = arith.sitofp %convert_element_type3A_305 : vector<16xi32> to vector<16xf32>
    %broadcast_in_dim3A_307 = vector.shape_cast %convert_element_type3A_306 : vector<16xf32> to vector<16x1xf32>
    %slice3A_308 = vector.extract_strided_slice %get3A_265 {offsets = [0, 48], sizes = [16, 16], strides = [1, 1]} : vector<16x128xf32> to vector<16x16xf32>
    %mul3A_309 = vector.broadcast %broadcast_in_dim3A_307 : vector<16x1xf32> to vector<16x16xf32>
    %mul3A_310 = arith.mulf %mul3A_309, %slice3A_308 : vector<16x16xf32>
    %add3A_311 = arith.addf %add3A_301, %mul3A_310 : vector<16x16xf32>
    %eq3A_312 = arith.constant 4 : i32
    %eq3A_313 = vector.broadcast %eq3A_312 : i32 to vector<16xi32>
    %eq3A_314 = arith.cmpi eq, %get3A_269, %eq3A_313 : vector<16xi32>
    %convert_element_type3A_315 = arith.extui %eq3A_314 : vector<16xi1> to vector<16xi32>
    %convert_element_type3A_316 = arith.sitofp %convert_element_type3A_315 : vector<16xi32> to vector<16xf32>
    %broadcast_in_dim3A_317 = vector.shape_cast %convert_element_type3A_316 : vector<16xf32> to vector<16x1xf32>
    %slice3A_318 = vector.extract_strided_slice %get3A_265 {offsets = [0, 64], sizes = [16, 16], strides = [1, 1]} : vector<16x128xf32> to vector<16x16xf32>
    %mul3A_319 = vector.broadcast %broadcast_in_dim3A_317 : vector<16x1xf32> to vector<16x16xf32>
    %mul3A_320 = arith.mulf %mul3A_319, %slice3A_318 : vector<16x16xf32>
    %add3A_321 = arith.addf %add3A_311, %mul3A_320 : vector<16x16xf32>
    %eq3A_322 = arith.constant 5 : i32
    %eq3A_323 = vector.broadcast %eq3A_322 : i32 to vector<16xi32>
    %eq3A_324 = arith.cmpi eq, %get3A_269, %eq3A_323 : vector<16xi32>
    %convert_element_type3A_325 = arith.extui %eq3A_324 : vector<16xi1> to vector<16xi32>
    %convert_element_type3A_326 = arith.sitofp %convert_element_type3A_325 : vector<16xi32> to vector<16xf32>
    %broadcast_in_dim3A_327 = vector.shape_cast %convert_element_type3A_326 : vector<16xf32> to vector<16x1xf32>
    %slice3A_328 = vector.extract_strided_slice %get3A_265 {offsets = [0, 80], sizes = [16, 16], strides = [1, 1]} : vector<16x128xf32> to vector<16x16xf32>
    %mul3A_329 = vector.broadcast %broadcast_in_dim3A_327 : vector<16x1xf32> to vector<16x16xf32>
    %mul3A_330 = arith.mulf %mul3A_329, %slice3A_328 : vector<16x16xf32>
    %add3A_331 = arith.addf %add3A_321, %mul3A_330 : vector<16x16xf32>
    %eq3A_332 = arith.constant 6 : i32
    %eq3A_333 = vector.broadcast %eq3A_332 : i32 to vector<16xi32>
    %eq3A_334 = arith.cmpi eq, %get3A_269, %eq3A_333 : vector<16xi32>
    %convert_element_type3A_335 = arith.extui %eq3A_334 : vector<16xi1> to vector<16xi32>
    %convert_element_type3A_336 = arith.sitofp %convert_element_type3A_335 : vector<16xi32> to vector<16xf32>
    %broadcast_in_dim3A_337 = vector.shape_cast %convert_element_type3A_336 : vector<16xf32> to vector<16x1xf32>
    %slice3A_338 = vector.extract_strided_slice %get3A_265 {offsets = [0, 96], sizes = [16, 16], strides = [1, 1]} : vector<16x128xf32> to vector<16x16xf32>
    %mul3A_339 = vector.broadcast %broadcast_in_dim3A_337 : vector<16x1xf32> to vector<16x16xf32>
    %mul3A_340 = arith.mulf %mul3A_339, %slice3A_338 : vector<16x16xf32>
    %add3A_341 = arith.addf %add3A_331, %mul3A_340 : vector<16x16xf32>
    %eq3A_342 = arith.constant 7 : i32
    %eq3A_343 = vector.broadcast %eq3A_342 : i32 to vector<16xi32>
    %eq3A_344 = arith.cmpi eq, %get3A_269, %eq3A_343 : vector<16xi32>
    %convert_element_type3A_345 = arith.extui %eq3A_344 : vector<16xi1> to vector<16xi32>
    %convert_element_type3A_346 = arith.sitofp %convert_element_type3A_345 : vector<16xi32> to vector<16xf32>
    %broadcast_in_dim3A_347 = vector.shape_cast %convert_element_type3A_346 : vector<16xf32> to vector<16x1xf32>
    %slice3A_348 = vector.extract_strided_slice %get3A_265 {offsets = [0, 112], sizes = [16, 16], strides = [1, 1]} : vector<16x128xf32> to vector<16x16xf32>
    %mul3A_349 = vector.broadcast %broadcast_in_dim3A_347 : vector<16x1xf32> to vector<16x16xf32>
    %mul3A_350 = arith.mulf %mul3A_349, %slice3A_348 : vector<16x16xf32>
    %add3A_351 = arith.addf %add3A_341, %mul3A_350 : vector<16x16xf32>
    %get3A_352 = arith.constant 32 : index
    %get3A_353 = arith.constant 0 : index
    %get3A_354 = vector.load %arg10[%get3A_352, %get3A_353] : memref<64x128xf32, #tpu.memory_space<vmem>>, vector<16x128xf32>
    %dot_general3A_355 = arith.constant dense<0.000000e+00> : vector<16x128xf32>
    %dot_general3A_356 = tpu.matmul %add3A_351, %get3A_354, %dot_general3A_355 {dimension_numbers = #tpu.dot_dimension_numbers<[1], [0], [0], [1], [0, 0, 1, 1], [], []>, transpose_lhs_hint = false} : vector<16x16xf32>, vector<16x128xf32>, vector<16x128xf32> -> vector<16x128xf32>
    %add3A_357 = arith.addf %add3A_260, %dot_general3A_356 : vector<16x128xf32>
    %get3A_358 = arith.constant 3 : index
    %get3A_359 = arith.constant 0 : index
    %get3A_360 = arith.constant 0 : index
    %get3A_361 = vector.load %arg5[%get3A_358, %get3A_359, %get3A_360] : memref<4x16x128xf32, #tpu.memory_space<vmem>>, vector<1x16x128xf32>
    %get3A_362 = vector.shape_cast %get3A_361 : vector<1x16x128xf32> to vector<16x128xf32>
    %get3A_363 = arith.constant 0 : index
    %get3A_364 = arith.constant 3 : index
    %get3A_365 = vector.load %arg6[%get3A_363, %get3A_364] : memref<16x4xi32, #tpu.memory_space<vmem>>, vector<16x1xi32>
    %get3A_366 = vector.shape_cast %get3A_365 : vector<16x1xi32> to vector<16xi32>
    %broadcast_in_dim3A_367 = arith.constant 0.000000e+00 : f32
    %broadcast_in_dim3A_368 = vector.broadcast %broadcast_in_dim3A_367 : f32 to vector<16x16xf32>
    %eq3A_369 = arith.constant 0 : i32
    %eq3A_370 = vector.broadcast %eq3A_369 : i32 to vector<16xi32>
    %eq3A_371 = arith.cmpi eq, %get3A_366, %eq3A_370 : vector<16xi32>
    %convert_element_type3A_372 = arith.extui %eq3A_371 : vector<16xi1> to vector<16xi32>
    %convert_element_type3A_373 = arith.sitofp %convert_element_type3A_372 : vector<16xi32> to vector<16xf32>
    %broadcast_in_dim3A_374 = vector.shape_cast %convert_element_type3A_373 : vector<16xf32> to vector<16x1xf32>
    %slice3A_375 = vector.extract_strided_slice %get3A_362 {offsets = [0, 0], sizes = [16, 16], strides = [1, 1]} : vector<16x128xf32> to vector<16x16xf32>
    %mul3A_376 = vector.broadcast %broadcast_in_dim3A_374 : vector<16x1xf32> to vector<16x16xf32>
    %mul3A_377 = arith.mulf %mul3A_376, %slice3A_375 : vector<16x16xf32>
    %add3A_378 = arith.addf %broadcast_in_dim3A_368, %mul3A_377 : vector<16x16xf32>
    %eq3A_379 = arith.constant 1 : i32
    %eq3A_380 = vector.broadcast %eq3A_379 : i32 to vector<16xi32>
    %eq3A_381 = arith.cmpi eq, %get3A_366, %eq3A_380 : vector<16xi32>
    %convert_element_type3A_382 = arith.extui %eq3A_381 : vector<16xi1> to vector<16xi32>
    %convert_element_type3A_383 = arith.sitofp %convert_element_type3A_382 : vector<16xi32> to vector<16xf32>
    %broadcast_in_dim3A_384 = vector.shape_cast %convert_element_type3A_383 : vector<16xf32> to vector<16x1xf32>
    %slice3A_385 = vector.extract_strided_slice %get3A_362 {offsets = [0, 16], sizes = [16, 16], strides = [1, 1]} : vector<16x128xf32> to vector<16x16xf32>
    %mul3A_386 = vector.broadcast %broadcast_in_dim3A_384 : vector<16x1xf32> to vector<16x16xf32>
    %mul3A_387 = arith.mulf %mul3A_386, %slice3A_385 : vector<16x16xf32>
    %add3A_388 = arith.addf %add3A_378, %mul3A_387 : vector<16x16xf32>
    %eq3A_389 = arith.constant 2 : i32
    %eq3A_390 = vector.broadcast %eq3A_389 : i32 to vector<16xi32>
    %eq3A_391 = arith.cmpi eq, %get3A_366, %eq3A_390 : vector<16xi32>
    %convert_element_type3A_392 = arith.extui %eq3A_391 : vector<16xi1> to vector<16xi32>
    %convert_element_type3A_393 = arith.sitofp %convert_element_type3A_392 : vector<16xi32> to vector<16xf32>
    %broadcast_in_dim3A_394 = vector.shape_cast %convert_element_type3A_393 : vector<16xf32> to vector<16x1xf32>
    %slice3A_395 = vector.extract_strided_slice %get3A_362 {offsets = [0, 32], sizes = [16, 16], strides = [1, 1]} : vector<16x128xf32> to vector<16x16xf32>
    %mul3A_396 = vector.broadcast %broadcast_in_dim3A_394 : vector<16x1xf32> to vector<16x16xf32>
    %mul3A_397 = arith.mulf %mul3A_396, %slice3A_395 : vector<16x16xf32>
    %add3A_398 = arith.addf %add3A_388, %mul3A_397 : vector<16x16xf32>
    %eq3A_399 = arith.constant 3 : i32
    %eq3A_400 = vector.broadcast %eq3A_399 : i32 to vector<16xi32>
    %eq3A_401 = arith.cmpi eq, %get3A_366, %eq3A_400 : vector<16xi32>
    %convert_element_type3A_402 = arith.extui %eq3A_401 : vector<16xi1> to vector<16xi32>
    %convert_element_type3A_403 = arith.sitofp %convert_element_type3A_402 : vector<16xi32> to vector<16xf32>
    %broadcast_in_dim3A_404 = vector.shape_cast %convert_element_type3A_403 : vector<16xf32> to vector<16x1xf32>
    %slice3A_405 = vector.extract_strided_slice %get3A_362 {offsets = [0, 48], sizes = [16, 16], strides = [1, 1]} : vector<16x128xf32> to vector<16x16xf32>
    %mul3A_406 = vector.broadcast %broadcast_in_dim3A_404 : vector<16x1xf32> to vector<16x16xf32>
    %mul3A_407 = arith.mulf %mul3A_406, %slice3A_405 : vector<16x16xf32>
    %add3A_408 = arith.addf %add3A_398, %mul3A_407 : vector<16x16xf32>
    %eq3A_409 = arith.constant 4 : i32
    %eq3A_410 = vector.broadcast %eq3A_409 : i32 to vector<16xi32>
    %eq3A_411 = arith.cmpi eq, %get3A_366, %eq3A_410 : vector<16xi32>
    %convert_element_type3A_412 = arith.extui %eq3A_411 : vector<16xi1> to vector<16xi32>
    %convert_element_type3A_413 = arith.sitofp %convert_element_type3A_412 : vector<16xi32> to vector<16xf32>
    %broadcast_in_dim3A_414 = vector.shape_cast %convert_element_type3A_413 : vector<16xf32> to vector<16x1xf32>
    %slice3A_415 = vector.extract_strided_slice %get3A_362 {offsets = [0, 64], sizes = [16, 16], strides = [1, 1]} : vector<16x128xf32> to vector<16x16xf32>
    %mul3A_416 = vector.broadcast %broadcast_in_dim3A_414 : vector<16x1xf32> to vector<16x16xf32>
    %mul3A_417 = arith.mulf %mul3A_416, %slice3A_415 : vector<16x16xf32>
    %add3A_418 = arith.addf %add3A_408, %mul3A_417 : vector<16x16xf32>
    %eq3A_419 = arith.constant 5 : i32
    %eq3A_420 = vector.broadcast %eq3A_419 : i32 to vector<16xi32>
    %eq3A_421 = arith.cmpi eq, %get3A_366, %eq3A_420 : vector<16xi32>
    %convert_element_type3A_422 = arith.extui %eq3A_421 : vector<16xi1> to vector<16xi32>
    %convert_element_type3A_423 = arith.sitofp %convert_element_type3A_422 : vector<16xi32> to vector<16xf32>
    %broadcast_in_dim3A_424 = vector.shape_cast %convert_element_type3A_423 : vector<16xf32> to vector<16x1xf32>
    %slice3A_425 = vector.extract_strided_slice %get3A_362 {offsets = [0, 80], sizes = [16, 16], strides = [1, 1]} : vector<16x128xf32> to vector<16x16xf32>
    %mul3A_426 = vector.broadcast %broadcast_in_dim3A_424 : vector<16x1xf32> to vector<16x16xf32>
    %mul3A_427 = arith.mulf %mul3A_426, %slice3A_425 : vector<16x16xf32>
    %add3A_428 = arith.addf %add3A_418, %mul3A_427 : vector<16x16xf32>
    %eq3A_429 = arith.constant 6 : i32
    %eq3A_430 = vector.broadcast %eq3A_429 : i32 to vector<16xi32>
    %eq3A_431 = arith.cmpi eq, %get3A_366, %eq3A_430 : vector<16xi32>
    %convert_element_type3A_432 = arith.extui %eq3A_431 : vector<16xi1> to vector<16xi32>
    %convert_element_type3A_433 = arith.sitofp %convert_element_type3A_432 : vector<16xi32> to vector<16xf32>
    %broadcast_in_dim3A_434 = vector.shape_cast %convert_element_type3A_433 : vector<16xf32> to vector<16x1xf32>
    %slice3A_435 = vector.extract_strided_slice %get3A_362 {offsets = [0, 96], sizes = [16, 16], strides = [1, 1]} : vector<16x128xf32> to vector<16x16xf32>
    %mul3A_436 = vector.broadcast %broadcast_in_dim3A_434 : vector<16x1xf32> to vector<16x16xf32>
    %mul3A_437 = arith.mulf %mul3A_436, %slice3A_435 : vector<16x16xf32>
    %add3A_438 = arith.addf %add3A_428, %mul3A_437 : vector<16x16xf32>
    %eq3A_439 = arith.constant 7 : i32
    %eq3A_440 = vector.broadcast %eq3A_439 : i32 to vector<16xi32>
    %eq3A_441 = arith.cmpi eq, %get3A_366, %eq3A_440 : vector<16xi32>
    %convert_element_type3A_442 = arith.extui %eq3A_441 : vector<16xi1> to vector<16xi32>
    %convert_element_type3A_443 = arith.sitofp %convert_element_type3A_442 : vector<16xi32> to vector<16xf32>
    %broadcast_in_dim3A_444 = vector.shape_cast %convert_element_type3A_443 : vector<16xf32> to vector<16x1xf32>
    %slice3A_445 = vector.extract_strided_slice %get3A_362 {offsets = [0, 112], sizes = [16, 16], strides = [1, 1]} : vector<16x128xf32> to vector<16x16xf32>
    %mul3A_446 = vector.broadcast %broadcast_in_dim3A_444 : vector<16x1xf32> to vector<16x16xf32>
    %mul3A_447 = arith.mulf %mul3A_446, %slice3A_445 : vector<16x16xf32>
    %add3A_448 = arith.addf %add3A_438, %mul3A_447 : vector<16x16xf32>
    %get3A_449 = arith.constant 48 : index
    %get3A_450 = arith.constant 0 : index
    %get3A_451 = vector.load %arg10[%get3A_449, %get3A_450] : memref<64x128xf32, #tpu.memory_space<vmem>>, vector<16x128xf32>
    %dot_general3A_452 = arith.constant dense<0.000000e+00> : vector<16x128xf32>
    %dot_general3A_453 = tpu.matmul %add3A_448, %get3A_451, %dot_general3A_452 {dimension_numbers = #tpu.dot_dimension_numbers<[1], [0], [0], [1], [0, 0, 1, 1], [], []>, transpose_lhs_hint = false} : vector<16x16xf32>, vector<16x128xf32>, vector<16x128xf32> -> vector<16x128xf32>
    %add3A_454 = arith.addf %add3A_357, %dot_general3A_453 : vector<16x128xf32>
    %broadcast_in_dim3A_455 = vector.shape_cast %add3A_454 : vector<16x128xf32> to vector<16x1x128xf32>
    %reshape3A_456 = vector.shape_cast %add3A_63 : vector<3200x128xf32> to vector<16x200x128xf32>
    %concatenate3A = tpu.concatenate %broadcast_in_dim3A_455, %reshape3A_456 in 1 : vector<16x1x128xf32>, vector<16x200x128xf32> -> vector<16x201x128xf32>
    %reduce_sum3A = arith.constant dense<0.000000e+00> : vector<16x201xf32>
    %reduce_sum3A_457 = vector.multi_reduction <add>, %concatenate3A, %reduce_sum3A [2] : vector<16x201x128xf32> to vector<16x201xf32>
    %broadcast_in_dim3A_458 = vector.shape_cast %reduce_sum3A_457 : vector<16x201xf32> to vector<16x201x1xf32>
    %div3A = arith.constant 1.280000e+02 : f32
    %div3A_459 = vector.broadcast %div3A : f32 to vector<16x201x1xf32>
    %div3A_460 = arith.divf %broadcast_in_dim3A_458, %div3A_459 : vector<16x201x1xf32>
    %sub3A = vector.broadcast %div3A_460 : vector<16x201x1xf32> to vector<16x201x128xf32>
    %sub3A_461 = arith.subf %concatenate3A, %sub3A : vector<16x201x128xf32>
    %integer_pow3A = arith.mulf %sub3A_461, %sub3A_461 : vector<16x201x128xf32>
    %reduce_sum3A_462 = arith.constant dense<0.000000e+00> : vector<16x201xf32>
    %reduce_sum3A_463 = vector.multi_reduction <add>, %integer_pow3A, %reduce_sum3A_462 [2] : vector<16x201x128xf32> to vector<16x201xf32>
    %broadcast_in_dim3A_464 = vector.shape_cast %reduce_sum3A_463 : vector<16x201xf32> to vector<16x201x1xf32>
    %div3A_465 = arith.constant 1.280000e+02 : f32
    %div3A_466 = vector.broadcast %div3A_465 : f32 to vector<16x201x1xf32>
    %div3A_467 = arith.divf %broadcast_in_dim3A_464, %div3A_466 : vector<16x201x1xf32>
    %get3A_468 = arith.constant 0 : index
    %get3A_469 = arith.constant 0 : index
    %get3A_470 = vector.load %arg12[%get3A_468, %get3A_469] : memref<1x128xf32, #tpu.memory_space<vmem>>, vector<1x128xf32>
    %reshape3A_471 = vector.shape_cast %get3A_470 : vector<1x128xf32> to vector<1x1x128xf32>
    %get3A_472 = arith.constant 0 : index
    %get3A_473 = arith.constant 0 : index
    %get3A_474 = vector.load %arg13[%get3A_472, %get3A_473] : memref<1x128xf32, #tpu.memory_space<vmem>>, vector<1x128xf32>
    %reshape3A_475 = vector.shape_cast %get3A_474 : vector<1x128xf32> to vector<1x1x128xf32>
    %sub3A_476 = vector.broadcast %div3A_460 : vector<16x201x1xf32> to vector<16x201x128xf32>
    %sub3A_477 = arith.subf %concatenate3A, %sub3A_476 : vector<16x201x128xf32>
    %add3A_478 = arith.constant 9.99999996E-13 : f32
    %add3A_479 = vector.broadcast %add3A_478 : f32 to vector<16x201x1xf32>
    %add3A_480 = arith.addf %div3A_467, %add3A_479 : vector<16x201x1xf32>
    %rsqrt3A = math.rsqrt %add3A_480 : vector<16x201x1xf32>
    %mul3A_481 = vector.broadcast %rsqrt3A : vector<16x201x1xf32> to vector<16x201x128xf32>
    %mul3A_482 = arith.mulf %sub3A_477, %mul3A_481 : vector<16x201x128xf32>
    %mul3A_483 = vector.broadcast %reshape3A_471 : vector<1x1x128xf32> to vector<16x201x128xf32>
    %mul3A_484 = arith.mulf %mul3A_482, %mul3A_483 : vector<16x201x128xf32>
    %add3A_485 = vector.broadcast %reshape3A_475 : vector<1x1x128xf32> to vector<16x201x128xf32>
    %add3A_486 = arith.addf %mul3A_484, %add3A_485 : vector<16x201x128xf32>
    %swap3A = arith.constant 0 : index
    %swap3A_487 = arith.constant 0 : index
    %swap3A_488 = arith.constant 0 : index
    %swap3A_489 = vector.load %arg15[%swap3A, %swap3A_487, %swap3A_488] : memref<16x201x128xf32, #tpu.memory_space<vmem>>, vector<16x201x128xf32>
    tpu.vector_store %arg15[%swap3A, %swap3A_487, %swap3A_488], %add3A_486 {strides = array<i32>} : memref<16x201x128xf32, #tpu.memory_space<vmem>>, vector<16x201x128xf32>,
    return
  }
  func.func @transform_0(%arg0: i32) -> (i32, i32) {
    %c0_i32 = arith.constant 0 : i32
    %c0_i32_0 = arith.constant 0 : i32
    return %arg0, %c0_i32 : i32, i32
  }
  func.func @transform_1(%arg0: i32) -> (i32, i32) {
    %add3A = arith.constant 32 : i32
    %add3A_0 = arith.addi %arg0, %add3A : i32
    %c0_i32 = arith.constant 0 : i32
    %c0_i32_1 = arith.constant 0 : i32
    return %add3A_0, %c0_i32 : i32, i32
  }
  func.func @transform_2(%arg0: i32) -> (i32, i32) {
    %add3A = arith.constant 32 : i32
    %add3A_0 = arith.addi %arg0, %add3A : i32
    %c0_i32 = arith.constant 0 : i32
    %c0_i32_1 = arith.constant 0 : i32
    return %add3A_0, %c0_i32 : i32, i32
  }
  func.func @transform_3(%arg0: i32) -> (i32, i32) {
    %add3A = arith.constant 32 : i32
    %add3A_0 = arith.addi %arg0, %add3A : i32
    %c0_i32 = arith.constant 0 : i32
    %c0_i32_1 = arith.constant 0 : i32
    return %add3A_0, %c0_i32 : i32, i32
  }
  func.func @transform_4(%arg0: i32) -> (i32, i32, i32) {
    %c0_i32 = arith.constant 0 : i32
    %c0_i32_0 = arith.constant 0 : i32
    %c0_i32_1 = arith.constant 0 : i32
    return %c0_i32, %arg0, %c0_i32_0 : i32, i32, i32
  }
  func.func @transform_5(%arg0: i32) -> (i32, i32) {
    %add3A = arith.constant 32 : i32
    %add3A_0 = arith.addi %arg0, %add3A : i32
    %c0_i32 = arith.constant 0 : i32
    %c0_i32_1 = arith.constant 0 : i32
    return %add3A_0, %c0_i32 : i32, i32
  }
  func.func @transform_6(%arg0: i32) -> (i32, i32) {
    %c0_i32 = arith.constant 0 : i32
    %c0_i32_0 = arith.constant 0 : i32
    %c0_i32_1 = arith.constant 0 : i32
    return %c0_i32, %c0_i32_0 : i32, i32
  }
  func.func @transform_7(%arg0: i32) -> (i32, i32) {
    %c0_i32 = arith.constant 0 : i32
    %c0_i32_0 = arith.constant 0 : i32
    %c0_i32_1 = arith.constant 0 : i32
    return %c0_i32, %c0_i32_0 : i32, i32
  }
  func.func @transform_8(%arg0: i32) -> (i32, i32) {
    %c0_i32 = arith.constant 0 : i32
    %c0_i32_0 = arith.constant 0 : i32
    %c0_i32_1 = arith.constant 0 : i32
    return %c0_i32, %c0_i32_0 : i32, i32
  }
  func.func @transform_9(%arg0: i32) -> (i32, i32) {
    %c0_i32 = arith.constant 0 : i32
    %c0_i32_0 = arith.constant 0 : i32
    %c0_i32_1 = arith.constant 0 : i32
    return %c0_i32, %c0_i32_0 : i32, i32
  }
  func.func @transform_10(%arg0: i32) -> (i32, i32) {
    %c0_i32 = arith.constant 0 : i32
    %c0_i32_0 = arith.constant 0 : i32
    %c0_i32_1 = arith.constant 0 : i32
    return %c0_i32, %c0_i32_0 : i32, i32
  }
  func.func @transform_11(%arg0: i32) -> (i32, i32) {
    %c0_i32 = arith.constant 0 : i32
    %c0_i32_0 = arith.constant 0 : i32
    %c0_i32_1 = arith.constant 0 : i32
    return %c0_i32, %c0_i32_0 : i32, i32
  }
  func.func @transform_12(%arg0: i32) -> (i32, i32) {
    %c0_i32 = arith.constant 0 : i32
    %c0_i32_0 = arith.constant 0 : i32
    %c0_i32_1 = arith.constant 0 : i32
    return %c0_i32, %c0_i32_0 : i32, i32
  }
  func.func @transform_14(%arg0: i32) -> (i32, i32, i32) {
    %add3A = arith.constant 32 : i32
    %add3A_0 = arith.addi %arg0, %add3A : i32
    %c0_i32 = arith.constant 0 : i32
    %c0_i32_1 = arith.constant 0 : i32
    %c0_i32_2 = arith.constant 0 : i32
    return %add3A_0, %c0_i32, %c0_i32_1 : i32, i32, i32
  }
}

</mosaic_0001>

<sc_bundles>
// kernel: kernel.6.cloned.1.call-start
scs
__scs_entry_jumppad:
0x0: {  	(pc) =	sbr.rel $0x88, $3  }
0x1: {  	(tag) =	ssettag $0x0;
	lr =	simm.s32 $0x1  }
0x2: {  	[smem:$0x3F91] =	sst lr;
	_ =	strace $0xD0000000  }
0x3: {  	_ = 	snop  }
0x4: {  	_ = 	snop  }
0x5: {  	_ = 	snop  }
0x6: {  	_ = 	snop  }
0x7: {  	_ = 	snop  }
__scs_overlays_trampoline_lowered:
0x8: {  	[smem:$0x3FA0] =	sst s0  }
0x9: {  	[smem:$0x3FA1] =	sst s1  }
0xa: {  	[smem:$0x3FA2] =	sst s2  }
0xb: {  	[smem:$0x3FA3] =	sst s3  }
0xc: {  	[smem:$0x3FA4] =	sst s4  }
0xd: {  	[smem:$0x3FA5] =	sst s5  }
0xe: {  	[smem:$0x3FA6] =	sst s6  }
0xf: {  	[smem:$0x3FA7] =	sst s7  }
0x10: {  	[smem:$0x3FA8] =	sst s8  }
0x11: {  	[smem:$0x3FA9] =	sst s9;
	s0 =	simm.s32 @!p0 $0x0  }
0x12: {  	s1 =	sld [smem:$0x3F8F];
	s0 =	simm.s32 @p0 $0x1  }
0x13: {  	[smem:$0x3FAA] =	sst s0;
	s0 =	simm.s32 @!p1 $0x0  }
0x14: {  	s2 =	sld [smem:$0x3F8E];
	s0 =	simm.s32 @p1 $0x1  }
0x15: {  	[smem:$0x3FAB] =	sst s0;
	s0 =	simm.s32 @!p2 $0x0  }
0x16: {  	s3 =	sld [smem:$0x3FDB];
	s0 =	simm.s32 @p2 $0x1  }
0x17: {  	s4 =	simm.s32 $0x1BF5;
	[smem:$0x3FAD] =	sst s0  }
0x18: {  	s0 =	sld [smem:$0x3F90];
	_ =	swait.ge [sflag:s4], $0x0  }
0x19: {  	s7 =	sld [smem:$0x3F91]  }
0x1a: {  	s8 =	sadd.s32 $0xFFFFE003, lr  }
0x1b: {  	s9 =	sadd.s32 $0xFFFFFEF7, lr;
	s5 =	simm.s32 $0xFFFFFFFF;
	p2 =	slt.u32 s8, $0xFFFFF086  }
0x1c: {  	p1 =	slt.u32 s9, $0xF7A;
	s5 =	simm.s32 @!p2 $0x0  }
0x1d: {  	s5 =	simm.s32 @p1 $0x1;
	p0 =	seq.s32 s7, s2  }
0x1e: {  	s7 =	smul.u32 @!p0 $0xF7A, s2;
	p2 =	seq.s32 @!p0 s5, $0x0  }
0x1f: {  	s9 =	smul.u32 $0xF7A, s1;
	s8 =	simm.s32 @!p0 $0x1BF5;
	p2 =	por !p2, p0  }
0x20: {  	[sflag:s8] =	ssyncset.s32 @!p0 $0xFFFFF086;
	s6 =	sadd.s32 @!p0 s3, s7;
	s7 =	simm.s32 @!p0 $0x108  }
0x21: {  	s3 =	sadd.s32 s3, s9;
	s6 =	sadd.s32 @!p0 $0x88, s6;
	s7 =	simm.s32 @p2 $0x1082  }
0x22: {  	[simem:s7], [sflag:s8] =	dma.local @!p0 [hbm:s6], $0xF7A  }
0x23: {  	s9 =	sor.u32 $0xD0000000, s2;
	s6 =	simm.s32 $0x108;
	_ =	swait.ge @!p0 [sflag:s8], $0x0  }
0x24: {  	s3 =	sadd.s32 $0x88, s3;
	s6 =	simm.s32 @!p1 $0x1082;
	[sflag:s4] =	ssyncset.s32 $0xFFFFF086  }
0x25: {  	[simem:s6], [sflag:s4] =	dma.local [hbm:s3], $0xF7A  }
0x26: {  	[smem:$0x3F91] =	sst s1;
	(tag) =	ssettag s2;
	_ =	strace s9  }
0x27: {  	s1 =	sld [smem:$0x3FA1]  }
0x28: {  	s2 =	sld [smem:$0x3FA2]  }
0x29: {  	s4 =	sld [smem:$0x3FA4]  }
0x2a: {  	p0 =	seq.s32 s5, $0x0;
	s5 =	sld [smem:$0x3FA5]  }
0x2b: {  	s6 =	sld [smem:$0x3FA6]  }
0x2c: {  	s7 =	sld [smem:$0x3FA7]  }
0x2d: {  	s3 =	simm.s32 $0x108;
	s8 =	sld [smem:$0x3FA8]  }
0x2e: {  	s3 =	simm.s32 @!p0 $0x1082;
	s9 =	sld [smem:$0x3FA9]  }
0x2f: {  	lr =	sadd.s32 s0, s3;
	s0 =	sld [smem:$0x3FA0]  }
0x30: {  	s3 =	sld [smem:$0x3FA3]  }
0x31: {  	[smem:$0x3FAC] =	sst s10  }
0x32: {  	s10 =	sld [smem:$0x3FAA];
	_ =	sdelay $0x3  }
0x33: {  	p0 =	seq.s32 s10, $0x1;
	s10 =	sld [smem:$0x3FAC];
	_ =	sdelay $0x3  }
0x34: {  	[smem:$0x3FAC] =	sst s10  }
0x35: {  	s10 =	sld [smem:$0x3FAB];
	_ =	sdelay $0x3  }
0x36: {  	p1 =	seq.s32 s10, $0x1;
	s10 =	sld [smem:$0x3FAC];
	_ =	sdelay $0x3  }
0x37: {  	[smem:$0x3FAC] =	sst s10  }
0x38: {  	s10 =	sld [smem:$0x3FAD]  }
0x39: {  	_ = 	snop;
	(pc) =	sbr.ind lr, $3  }
0x3a: {  	_ = 	snop  }
0x3b: {  	_ = 	snop  }
0x3c: {  	p2 =	seq.s32 s10, $0x1;
	s10 =	sld [smem:$0x3FAC]  }
0x3d: {  	_ =	shalt  }
0x3e: {  	_ =	shalt  }
0x3f: {  	_ =	shalt  }
0x40: {  	_ =	shalt  }
0x41: {  	_ =	shalt  }
0x42: {  	_ =	shalt  }
0x43: {  	_ =	shalt  }
0x44: {  	_ =	shalt  }
0x45: {  	_ =	shalt  }
0x46: {  	_ =	shalt  }
0x47: {  	_ =	shalt  }
0x48: {  	_ =	shalt  }
0x49: {  	_ =	shalt  }
0x4a: {  	_ =	shalt  }
0x4b: {  	_ =	shalt  }
0x4c: {  	_ =	shalt  }
0x4d: {  	_ =	shalt  }
0x4e: {  	_ =	shalt  }
0x4f: {  	_ =	shalt  }
0x50: {  	_ =	shalt  }
0x51: {  	_ =	shalt  }
0x52: {  	_ =	shalt  }
0x53: {  	_ =	shalt  }
0x54: {  	_ =	shalt  }
0x55: {  	_ =	shalt  }
0x56: {  	_ =	shalt  }
0x57: {  	_ =	shalt  }
0x58: {  	_ =	shalt  }
0x59: {  	_ =	shalt  }
0x5a: {  	_ =	shalt  }
0x5b: {  	_ =	shalt  }
0x5c: {  	_ =	shalt  }
0x5d: {  	_ =	shalt  }
0x5e: {  	_ =	shalt  }
0x5f: {  	_ =	shalt  }
0x60: {  	_ =	shalt  }
0x61: {  	_ =	shalt  }
0x62: {  	_ =	shalt  }
0x63: {  	_ =	shalt  }
0x64: {  	_ =	shalt  }
0x65: {  	_ =	shalt  }
0x66: {  	_ =	shalt  }
0x67: {  	_ =	shalt  }
0x68: {  	_ =	shalt  }
0x69: {  	_ =	shalt  }
0x6a: {  	_ =	shalt  }
0x6b: {  	_ =	shalt  }
0x6c: {  	_ =	shalt  }
0x6d: {  	_ =	shalt  }
0x6e: {  	_ =	shalt  }
0x6f: {  	_ =	shalt  }
0x70: {  	_ =	shalt  }
0x71: {  	_ =	shalt  }
0x72: {  	_ =	shalt  }
0x73: {  	_ =	shalt  }
0x74: {  	_ =	shalt  }
0x75: {  	_ =	shalt  }
0x76: {  	_ =	shalt  }
0x77: {  	_ =	shalt  }
0x78: {  	_ =	shalt  }
0x79: {  	_ =	shalt  }
0x7a: {  	_ =	shalt  }
0x7b: {  	_ =	shalt  }
0x7c: {  	_ =	shalt  }
0x7d: {  	_ =	shalt  }
0x7e: {  	_ =	shalt  }
0x7f: {  	_ =	shalt  }
0x80: {  	_ =	shalt  }
0x81: {  	_ =	shalt  }
0x82: {  	_ =	shalt  }
0x83: {  	_ =	shalt  }
0x84: {  	_ =	shalt  }
0x85: {  	_ =	shalt  }
0x86: {  	_ =	shalt  }
0x87: {  	_ =	shalt  }
.Lfunc_end0:
.L_simem_size_0:
called_computation_lowered:
.L_overlay_start_0:
0x88: {  	s2 =	sld [smem:$0x3FD9]  }
0x89: {  	s3 =	sld [smem:$0x3FFE];
	_ =	sdelay $0x1  }
0x8a: {  	s1 =	srdreg.scid  }
0x8b: {  	s0 =	sand.u32 $0x1, s1  }
0x8c: {  	s17 =	sshll.u32 s0, $0xA;
	s2 =	sadd.s32 s3, s2  }
0x8d: {  	s2 =	sadd.s32 s2, s17  }
0x8e: {  	[smem:$0x3FB8] =	sst s2  }
0x8f: {  	_ = 	snop  }
0x90: {  	s2 =	sld [smem:$0x3FC5];
	(tm) =	ssettm $0x1  }
0x91: {  	s18 =	sld [smem:$0x3FFB];
	_ =	sdelay $0x3  }
0x92: {  	_ =	strace s18  }
0x93: {  	s3 =	sld [smem:$0x3FFC];
	_ =	sdelay $0x3  }
0x94: {  	_ =	strace s3  }
0x95: {  	s3 =	sld [smem:$0x3FFD];
	_ =	sdelay $0x3  }
0x96: {  	_ =	strace s3  }
0x97: {  	_ =	strace $0x8FFFFFFF  }
0x98: {  	s19 =	sld [smem:$0x3FDB];
	_ =	sdelay $0x1  }
0x99: {  	s4 =	simm.s32 $_scs_section_size  }
0x9a: {  	s5 =	simm.s32 $_size__tile_overlayer_lowered;
	s6 =	simm.s32 $_tile_overlayer_lowered  }
0x9b: {  	s22 =	simm.s32 $0x1BFF;
	s21 =	sshll.u32 s6, $0x1;
	s3 =	sadd.s32 s4, s19  }
0x9c: {  	s7 =	simm.s32 $0x0;
	s20 =	sshll.u32 s5, $0x1;
	s5 =	sadd.s32 s21, s3  }
0x9d: {  	[timem:s7], [sflag:s22] =	dma.local [hbm:s5], s20  }
0x9e: {  	_ =	swait.ge [sflag:s22], s20  }
0x9f: {  	s4 =	ssub.s32 $0x0, s20;
	[sflag:s22] =	ssyncset.done $0x0  }
0xa0: {  	[sflag:s22] =	ssyncadd.s32 s4;
	_ =	sdelay $0x1  }
0xa1: {  	s23 =	simm.s32 $0x1B8B  }
0xa2: {  	_ =	swait.ge [sflag:s23], $0x1  }
0xa3: {  	[sflag:s23] =	ssyncset.done $0x0  }
0xa4: {  	s25 =	simm.s32 $0x1B8E;
	s24 =	sld [smem:$0x3FFE];
	[sflag:s23] =	ssyncadd.s32 $0xFFFFFFFF  }
0xa5: {  	s26 =	simm.s32 $execute0_lowered;
	[smem:$0x3FD2] =	sst s25  }
0xa6: {  	s5 =	sshll.u32 s26, $0x1;
	_ =	strace $0x80000046;
	[dreg:$0x1] =	wrdreg $0xFFFFFFFF  }
0xa7: {  	s28 =	simm.s32 $_size_execute0_lowered;
	s3 =	sadd.s32 s3, s5;
	[dreg:$0x0] =	wrdreg $0x0  }
0xa8: {  	s5 =	sshll.u32 s28, $0x1;
	[dreg:$0x2] =	wrdreg s3  }
0xa9: {  	[dreg:$0x3] =	wrdreg s5  }
0xaa: {  	[dreg:$0x4] =	wrdreg $0xC0  }
0xab: {  	_ =	task [dreg:s7], $0x5FFFF  }
0xac: {  	[dreg:$0x1] =	wrdreg $0xFFFFFFFF  }
0xad: {  	[dreg:$0x0] =	wrdreg $0x60  }
0xae: {  	[dreg:$0x2] =	wrdreg s2  }
0xaf: {  	[dreg:$0x3] =	wrdreg s24  }
0xb0: {  	[dreg:$0x4] =	wrdreg $0x9  }
0xb1: {  	_ =	task.clear_ibuf [dreg:s7], $0x5FFFF;
	_ =	strace $0x90000046  }
0xb2: {  	s29 =	simm.s32 $0x9;
	_ =	strace $0x80000048  }
0xb3: {  	_ =	swait.ge [sflag:s29], $0x1  }
0xb4: {  	[sflag:s29] =	ssyncadd.s32 $0xFFFFFFFF  }
0xb5: {  	_ =	strace $0x90000048  }
0xb6: {  	_ =	sfence  }
0xb7: {  	s30 =	sld [smem:$0x0];
	_ =	sdelay $0x2  }
0xb8: {  	s31 =	sshll.u32 s1, $0xD;
	s1 =	sshrl.u32 s1, $0x2  }
0xb9: {  	s3 =	sand.u32 $0x4000, s31;
	s1 =	sadd.s32 s1, s30  }
0xba: {  	s0 =	sor.u32 s3, s0;
	s1 =	sshll.u32 s1, $0x11  }
0xbb: {  	s0 =	sor.u32 s1, s0  }
0xbc: {  	s0 =	sadd.s32 $0x8F2B, s0  }
0xbd: {  	[sflag:s0] =	ssyncadd.remote.s32 $0x1  }
0xbe: {  	_ =	sfence.sel $0xFFFF  }
0xbf: {  	[dreg:$0x0] =	wrdreg $0xFFFFFFFF;
	(pc) =	sbr.abs _section_cstart, $3  }
0xc0: {  	[dreg:$0x1] =	wrdreg $0xFFFFFFFF  }
0xc1: {  	_ =	task.clear_ibuf [dreg:s7], $0x2FFFF;
	_ =	strace $0x9FFFFFFF  }
0xc2: {  	(tm) =	ssettm $0x7FFFFFFF  }
0xc3: {  	_ =	shalt  }
tec
execute0_lowered:
.L_overlay_start_1:
0x0: {  	(tag) =	ssettag $0x1  }
0x1: {  	s1 =	srdreg.scid;
	s2 =	rddreg [dreg:$0x0]  }
0x2: {  	s0 =	stileid.u32;
	s5 =	rddreg [dreg:$0x1]  }
0x3: {  	s3 =	simm.s32 $0x0;
	s6 =	sand.u32 $0x1, s1;
	s1 =	rddreg [dreg:$0x2]  }
0x4: {  	s4 =	smul.u32 $0x1900, s0;
	[smem:$0x7FF] =	sst s3  }
0x5: {  	s26 =	sand.u32 $0x7, s0;
	s12 =	sadd.s32 $0x40000, s5;
	s14 =	sadd.s32 $0x70E00, s5  }
0x6: {  	s10 =	smul.u32 $0x19000, s0;
	s11 =	sadd.s32 $0xA1C00, s5;
	s15 =	sshrl.u32 s0, $0x3  }
0x7: {  	s7 =	smul.u32 $0xC80, s6;
	_ =	strace $0x80000047;
	s8 =	sshll.u32 s26, $0x3  }
0x8: {  	s13 =	sshll.u32 s6, $0x1;
	s16 =	ssub.s32 $0x2, s6;
	s31 =	smul.u32 $0xC800, s6  }
0x9: {  	s8 =	sadd.s32 s8, s5;
	s10 =	sadd.s32 s10, s5;
	s13 =	sor.u32 s15, s13  }
0xa: {  	s28 =	sshrl.u32 s16, $0x1;
	s4 =	sadd.s32 s7, s4;
	s7 =	sshll.u32 s26, $0xA  }
0xb: {  	s17 =	sshll.u32 s13, $0x7;
	s15 =	ssub.s32 s16, s28;
	s30 =	sshll.u32 s13, $0xD  }
0xc: {  	p0 =	sgt.s32 s13, $0x1;
	s16 =	simm.s32 $0x0;
	s4 =	sshrl.u32 s4, $0x3  }
0xd: {  	s7 =	sadd.s32 s7, s5;
	s29 =	sadd.s32 s17, s8;
	p1 =	seq.s32 @p0 s13, $0x2  }
0xe: {  	s8 =	sadd.s32 s31, s10;
	s10 =	simm.s32 $0x2;
	s9 =	sadd.s32 s4, s5  }
0xf: {  	s4 =	sadd.s32 $0xF200, s5;
	s5 =	sadd.s32 $0x8C00, s29;
	s7 =	sadd.s32 s30, s7  }
0x10: {  	p1 =	por !p1, !p0;
	s8 =	sadd.s32 $0xDAA00, s8;
	s6 =	sadd.s32 $0xD2A00, s7  }
0x11: {  	s7 =	smax.u32 s15, $0x1;
	s14 =	smov.u32 @p1 s11;
	p1 =	seq.s32 @!p0 s13, $0x0  }
0x12: {  	s9 =	sadd.s32 $0x8E00, s9;
	s11 =	simm.s32 $0x80;
	p1 =	por !p1, p0  }
0x13: {  	s13 =	simm.s32 $0x4080;
	s15 =	simm.s32 $0x4100;
	s4 =	smov.u32 @p1 s12  }
0x14: {  	s12 =	simm.s32 $0x1;
	s4 =	smov.u32 @p0 s14;
	s14 =	simm.s32 $0x40  }
.LBB2_1:
0x15: {  	s17 =	sadd.s32 $0x0, s9  }
0x16: {  	[tilespmem:s3], [sflag:$0x2] =	stream.linear.gather [hbm4b:s17+s3], $0x80, $0x38;
	[tilespmem:$0x6100] =	vst v63  }
0x17: {  	_ =	swait.ge [sflag:s10], $0x80  }
0x18: {  	[sflag:s10] =	ssyncset.done $0x0  }
0x19: {  	[sflag:s10] =	ssyncadd.s32 $0xFFFFFF80  }
0x1a: {  	[tilespmem:s11], [sflag:$0x1] =	stream.indirect.gather [hbm4b:s2+s11], $0x80, s3, s11, $0xb8;
	[tilespmem:$0x6100] =	vst v63  }
0x1b: {  	_ =	swait.ge [sflag:s12], $0x4000  }
0x1c: {  	[sflag:s12] =	ssyncset.done $0x0  }
0x1d: {  	[sflag:s12] =	ssyncadd.s32 $0xFFFFC000  }
0x1e: {  	[hbm4b:s8+s3] =	stream.linear.scatter [tilespmem:s11], [sflag:$0x2], $0x4000, $0x38;
	[tilespmem:$0x6100] =	vst v63  }
0x1f: {  	s18 =	simm.s32 $0x10;
	_ =	swait.ge [sflag:s10], $0x4000  }
0x20: {  	s19 =	simm.s32 $0x20;
	s17 =	sadd.s32 $0x800, s8;
	[sflag:s10] =	ssyncset.done $0x0  }
.LBB2_2:
0x21: {  	s20 =	sadd.s32 s18, s9  }
0x22: {  	[sflag:s10] =	ssyncadd.s32 $0xFFFFC000;
	s18 =	smov.u32 s19;
	s21 =	sadd.s32 $0x10, s19  }
0x23: {  	[tilespmem:s3], [sflag:$0x2] =	stream.linear.gather [hbm4b:s20+s3], $0x80, $0x38;
	[tilespmem:$0x6100] =	vst v63  }
0x24: {  	p0 =	sne.s32 s19, $0x180;
	_ =	swait.ge [sflag:s10], $0x80  }
0x25: {  	[sflag:s10] =	ssyncset.done $0x0  }
0x26: {  	[sflag:s10] =	ssyncadd.s32 $0xFFFFFF80  }
0x27: {  	[tilespmem:s11], [sflag:$0x1] =	stream.indirect.gather [hbm4b:s2+s11], $0x80, s3, s11, $0xb8;
	[tilespmem:$0x6100] =	vst v63  }
0x28: {  	_ =	swait.ge [sflag:s12], $0x4000  }
.Ltmp0:
0x29: {  	[sflag:s12] =	ssyncset.done $0x0;
	(pc) =	sbr.rel @p0 .LBB2_2-.Ltmp0, $4  }
0x2a: {  	[sflag:s12] =	ssyncadd.s32 $0xFFFFC000  }
0x2b: {  	[hbm4b:s17+s3] =	stream.linear.scatter [tilespmem:s11], [sflag:$0x2], $0x4000, $0x38;
	[tilespmem:$0x6100] =	vst v63  }
0x2c: {  	_ =	swait.ge [sflag:s10], $0x4000  }
0x2d: {  	s19 =	smov.u32 s21;
	s17 =	sadd.s32 $0x800, s17;
	[sflag:s10] =	ssyncset.done $0x0  }
0x2e: {  	s18 =	sadd.s32 s18, s9;
	[sflag:s10] =	ssyncadd.s32 $0xFFFFC000  }
0x2f: {  	[tilespmem:s3], [sflag:$0x2] =	stream.linear.gather [hbm4b:s18+s3], $0x80, $0x38;
	[tilespmem:$0x6100] =	vst v63  }
0x30: {  	_ =	swait.ge [sflag:s10], $0x80  }
0x31: {  	[sflag:s10] =	ssyncset.done $0x0  }
0x32: {  	[sflag:s10] =	ssyncadd.s32 $0xFFFFFF80  }
0x33: {  	[tilespmem:s11], [sflag:$0x1] =	stream.indirect.gather [hbm4b:s2+s11], $0x80, s3, s11, $0xb8;
	[tilespmem:$0x6100] =	vst v63  }
0x34: {  	_ =	swait.ge [sflag:s12], $0x4000  }
0x35: {  	[sflag:s12] =	ssyncset.done $0x0  }
0x36: {  	[sflag:s12] =	ssyncadd.s32 $0xFFFFC000  }
0x37: {  	[hbm4b:s17+s3] =	stream.linear.scatter [tilespmem:s11], [sflag:$0x2], $0x4000, $0x38;
	[tilespmem:$0x6100] =	vst v63  }
0x38: {  	_ =	swait.ge [sflag:s10], $0x4000  }
0x39: {  	[sflag:s10] =	ssyncset.done $0x0  }
0x3a: {  	[sflag:s10] =	ssyncadd.s32 $0xFFFFC000  }
0x3b: {  	[tilespmem:s13], [sflag:$0x2] =	stream.linear.gather [hbm4b:s5+s3], $0x40, $0x38;
	[tilespmem:$0x6100] =	vst v63  }
0x3c: {  	_ =	swait.ge [sflag:s10], $0x40  }
0x3d: {  	[sflag:s10] =	ssyncset.done $0x0  }
0x3e: {  	[sflag:s10] =	ssyncadd.s32 $0xFFFFFFC0  }
0x3f: {  	[tilespmem:s15], [sflag:$0x1] =	stream.indirect.gather [hbm4b:s4+s14], $0x80, s13, s14, $0xb8;
	[tilespmem:$0x6100] =	vst v63  }
0x40: {  	s16 =	sadd.s32 $0x1, s16;
	_ =	swait.ge [sflag:s12], $0x2000  }
0x41: {  	p0 =	sne.s32 s16, s7;
	[sflag:s12] =	ssyncset.done $0x0  }
.Ltmp1:
0x42: {  	[sflag:s12] =	ssyncadd.s32 $0xFFFFE000;
	(pc) =	sbr.rel @p0 .LBB2_1-.Ltmp1, $4  }
0x43: {  	[hbm4b:s6+s3] =	stream.linear.scatter [tilespmem:s15], [sflag:$0x2], $0x2000, $0x38;
	[tilespmem:$0x6100] =	vst v63  }
0x44: {  	_ =	swait.ge [sflag:s10], $0x2000  }
0x45: {  	[sflag:s10] =	ssyncset.done $0x0  }
0x46: {  	[sflag:s10] =	ssyncadd.s32 $0xFFFFE000  }
0x47: {  	_ =	sfence.sel $0x180000  }
0x48: {  	[bflag:$0x0] =	sbarrier.arrive $0xFFFF  }
0x49: {  	p0 =	sne.s32 s0, $0x0;
	_ =	strace $0x90000047  }
0x4a: {  	s0 =	sadd.s32 @!p0 $0x100000, s1;
	[bflag:$0x2] =	sbarrier.arrive $0xFFFF  }
0x4b: {  	[sflag:s0] =	ssyncadd.tile.s32 @!p0 $0x1;
	_ =	shalt  }
.Lfunc_end2:
_tile_overlayer_lowered:
.L_overlay_start_2:
0x4c: {  	(tag) =	ssettag $0x2  }
0x4d: {  	s0 =	rddreg [dreg:$0x0];
	s2 =	stileid.u32  }
0x4e: {  	s1 =	rddreg [dreg:$0x1];
	p0 =	sne.s32 s2, $0x0  }
0x4f: {  	s3 =	rddreg [dreg:$0x2];
	[bflag:$0x3] =	sbarrier.arrive $0xFFFF;
	s2 =	simm.s32 @!p0 $0x1C02  }
0x50: {  	[timem:s3], [sflag:s2] =	dma.local @!p0 [hbm:s0], s1  }
0x51: {  	s0 =	simm.s32 @!p0 $0x2  }
0x52: {  	_ =	swait.ge @!p0 [sflag:s0], s1  }
0x53: {  	s1 =	ssub.s32 @!p0 $0x0, s1;
	[sflag:s0] =	ssyncset.done @!p0 $0x0  }
0x54: {  	[sflag:s0] =	ssyncadd.s32 @!p0 s1  }
0x55: {  	[bflag:$0x3] =	sbarrier.arrive $0xFFFF  }
0x56: {  	_ =	shalt  }

// kernel: kernel.9.cloned.1.call-start
scs
__scs_entry_jumppad:
0x0: {  	(pc) =	sbr.rel $0x88, $3  }
0x1: {  	(tag) =	ssettag $0x0;
	lr =	simm.s32 $0x1  }
0x2: {  	[smem:$0x3F91] =	sst lr;
	_ =	strace $0xD0000000  }
0x3: {  	_ = 	snop  }
0x4: {  	_ = 	snop  }
0x5: {  	_ = 	snop  }
0x6: {  	_ = 	snop  }
0x7: {  	_ = 	snop  }
__scs_overlays_trampoline_lowered:
0x8: {  	[smem:$0x3FA0] =	sst s0  }
0x9: {  	[smem:$0x3FA1] =	sst s1  }
0xa: {  	[smem:$0x3FA2] =	sst s2  }
0xb: {  	[smem:$0x3FA3] =	sst s3  }
0xc: {  	[smem:$0x3FA4] =	sst s4  }
0xd: {  	[smem:$0x3FA5] =	sst s5  }
0xe: {  	[smem:$0x3FA6] =	sst s6  }
0xf: {  	[smem:$0x3FA7] =	sst s7  }
0x10: {  	[smem:$0x3FA8] =	sst s8  }
0x11: {  	[smem:$0x3FA9] =	sst s9;
	s0 =	simm.s32 @!p0 $0x0  }
0x12: {  	s1 =	sld [smem:$0x3F8F];
	s0 =	simm.s32 @p0 $0x1  }
0x13: {  	[smem:$0x3FAA] =	sst s0;
	s0 =	simm.s32 @!p1 $0x0  }
0x14: {  	s2 =	sld [smem:$0x3F8E];
	s0 =	simm.s32 @p1 $0x1  }
0x15: {  	[smem:$0x3FAB] =	sst s0;
	s0 =	simm.s32 @!p2 $0x0  }
0x16: {  	s3 =	sld [smem:$0x3FDB];
	s0 =	simm.s32 @p2 $0x1  }
0x17: {  	s4 =	simm.s32 $0x1BF5;
	[smem:$0x3FAD] =	sst s0  }
0x18: {  	s0 =	sld [smem:$0x3F90];
	_ =	swait.ge [sflag:s4], $0x0  }
0x19: {  	s7 =	sld [smem:$0x3F91]  }
0x1a: {  	s8 =	sadd.s32 $0xFFFFE003, lr  }
0x1b: {  	s9 =	sadd.s32 $0xFFFFFEF7, lr;
	s5 =	simm.s32 $0xFFFFFFFF;
	p2 =	slt.u32 s8, $0xFFFFF086  }
0x1c: {  	p1 =	slt.u32 s9, $0xF7A;
	s5 =	simm.s32 @!p2 $0x0  }
0x1d: {  	s5 =	simm.s32 @p1 $0x1;
	p0 =	seq.s32 s7, s2  }
0x1e: {  	s7 =	smul.u32 @!p0 $0xF7A, s2;
	p2 =	seq.s32 @!p0 s5, $0x0  }
0x1f: {  	s9 =	smul.u32 $0xF7A, s1;
	s8 =	simm.s32 @!p0 $0x1BF5;
	p2 =	por !p2, p0  }
0x20: {  	[sflag:s8] =	ssyncset.s32 @!p0 $0xFFFFF086;
	s6 =	sadd.s32 @!p0 s3, s7;
	s7 =	simm.s32 @!p0 $0x108  }
0x21: {  	s3 =	sadd.s32 s3, s9;
	s6 =	sadd.s32 @!p0 $0x88, s6;
	s7 =	simm.s32 @p2 $0x1082  }
0x22: {  	[simem:s7], [sflag:s8] =	dma.local @!p0 [hbm:s6], $0xF7A  }
0x23: {  	s9 =	sor.u32 $0xD0000000, s2;
	s6 =	simm.s32 $0x108;
	_ =	swait.ge @!p0 [sflag:s8], $0x0  }
0x24: {  	s3 =	sadd.s32 $0x88, s3;
	s6 =	simm.s32 @!p1 $0x1082;
	[sflag:s4] =	ssyncset.s32 $0xFFFFF086  }
0x25: {  	[simem:s6], [sflag:s4] =	dma.local [hbm:s3], $0xF7A  }
0x26: {  	[smem:$0x3F91] =	sst s1;
	(tag) =	ssettag s2;
	_ =	strace s9  }
0x27: {  	s1 =	sld [smem:$0x3FA1]  }
0x28: {  	s2 =	sld [smem:$0x3FA2]  }
0x29: {  	s4 =	sld [smem:$0x3FA4]  }
0x2a: {  	p0 =	seq.s32 s5, $0x0;
	s5 =	sld [smem:$0x3FA5]  }
0x2b: {  	s6 =	sld [smem:$0x3FA6]  }
0x2c: {  	s7 =	sld [smem:$0x3FA7]  }
0x2d: {  	s3 =	simm.s32 $0x108;
	s8 =	sld [smem:$0x3FA8]  }
0x2e: {  	s3 =	simm.s32 @!p0 $0x1082;
	s9 =	sld [smem:$0x3FA9]  }
0x2f: {  	lr =	sadd.s32 s0, s3;
	s0 =	sld [smem:$0x3FA0]  }
0x30: {  	s3 =	sld [smem:$0x3FA3]  }
0x31: {  	[smem:$0x3FAC] =	sst s10  }
0x32: {  	s10 =	sld [smem:$0x3FAA];
	_ =	sdelay $0x3  }
0x33: {  	p0 =	seq.s32 s10, $0x1;
	s10 =	sld [smem:$0x3FAC];
	_ =	sdelay $0x3  }
0x34: {  	[smem:$0x3FAC] =	sst s10  }
0x35: {  	s10 =	sld [smem:$0x3FAB];
	_ =	sdelay $0x3  }
0x36: {  	p1 =	seq.s32 s10, $0x1;
	s10 =	sld [smem:$0x3FAC];
	_ =	sdelay $0x3  }
0x37: {  	[smem:$0x3FAC] =	sst s10  }
0x38: {  	s10 =	sld [smem:$0x3FAD]  }
0x39: {  	_ = 	snop;
	(pc) =	sbr.ind lr, $3  }
0x3a: {  	_ = 	snop  }
0x3b: {  	_ = 	snop  }
0x3c: {  	p2 =	seq.s32 s10, $0x1;
	s10 =	sld [smem:$0x3FAC]  }
0x3d: {  	_ =	shalt  }
0x3e: {  	_ =	shalt  }
0x3f: {  	_ =	shalt  }
0x40: {  	_ =	shalt  }
0x41: {  	_ =	shalt  }
0x42: {  	_ =	shalt  }
0x43: {  	_ =	shalt  }
0x44: {  	_ =	shalt  }
0x45: {  	_ =	shalt  }
0x46: {  	_ =	shalt  }
0x47: {  	_ =	shalt  }
0x48: {  	_ =	shalt  }
0x49: {  	_ =	shalt  }
0x4a: {  	_ =	shalt  }
0x4b: {  	_ =	shalt  }
0x4c: {  	_ =	shalt  }
0x4d: {  	_ =	shalt  }
0x4e: {  	_ =	shalt  }
0x4f: {  	_ =	shalt  }
0x50: {  	_ =	shalt  }
0x51: {  	_ =	shalt  }
0x52: {  	_ =	shalt  }
0x53: {  	_ =	shalt  }
0x54: {  	_ =	shalt  }
0x55: {  	_ =	shalt  }
0x56: {  	_ =	shalt  }
0x57: {  	_ =	shalt  }
0x58: {  	_ =	shalt  }
0x59: {  	_ =	shalt  }
0x5a: {  	_ =	shalt  }
0x5b: {  	_ =	shalt  }
0x5c: {  	_ =	shalt  }
0x5d: {  	_ =	shalt  }
0x5e: {  	_ =	shalt  }
0x5f: {  	_ =	shalt  }
0x60: {  	_ =	shalt  }
0x61: {  	_ =	shalt  }
0x62: {  	_ =	shalt  }
0x63: {  	_ =	shalt  }
0x64: {  	_ =	shalt  }
0x65: {  	_ =	shalt  }
0x66: {  	_ =	shalt  }
0x67: {  	_ =	shalt  }
0x68: {  	_ =	shalt  }
0x69: {  	_ =	shalt  }
0x6a: {  	_ =	shalt  }
0x6b: {  	_ =	shalt  }
0x6c: {  	_ =	shalt  }
0x6d: {  	_ =	shalt  }
0x6e: {  	_ =	shalt  }
0x6f: {  	_ =	shalt  }
0x70: {  	_ =	shalt  }
0x71: {  	_ =	shalt  }
0x72: {  	_ =	shalt  }
0x73: {  	_ =	shalt  }
0x74: {  	_ =	shalt  }
0x75: {  	_ =	shalt  }
0x76: {  	_ =	shalt  }
0x77: {  	_ =	shalt  }
0x78: {  	_ =	shalt  }
0x79: {  	_ =	shalt  }
0x7a: {  	_ =	shalt  }
0x7b: {  	_ =	shalt  }
0x7c: {  	_ =	shalt  }
0x7d: {  	_ =	shalt  }
0x7e: {  	_ =	shalt  }
0x7f: {  	_ =	shalt  }
0x80: {  	_ =	shalt  }
0x81: {  	_ =	shalt  }
0x82: {  	_ =	shalt  }
0x83: {  	_ =	shalt  }
0x84: {  	_ =	shalt  }
0x85: {  	_ =	shalt  }
0x86: {  	_ =	shalt  }
0x87: {  	_ =	shalt  }
.Lfunc_end0:
.L_simem_size_0:
called_computation.1_lowered:
.L_overlay_start_0:
0x88: {  	s2 =	sld [smem:$0x3FD9]  }
0x89: {  	s3 =	sld [smem:$0x3FFE];
	_ =	sdelay $0x1  }
0x8a: {  	s1 =	srdreg.scid  }
0x8b: {  	s0 =	sand.u32 $0x1, s1  }
0x8c: {  	s17 =	sshll.u32 s0, $0xA;
	s2 =	sadd.s32 s3, s2  }
0x8d: {  	s2 =	sadd.s32 s2, s17  }
0x8e: {  	[smem:$0x3FB8] =	sst s2  }
0x8f: {  	_ = 	snop  }
0x90: {  	s4 =	sld [smem:$0x3FC5]  }
0x91: {  	s18 =	sld [smem:$0x3FD0];
	(tm) =	ssettm $0x1  }
0x92: {  	s19 =	sld [smem:$0x3FFB];
	_ =	sdelay $0x3  }
0x93: {  	_ =	strace s19  }
0x94: {  	s2 =	sld [smem:$0x3FFC];
	_ =	sdelay $0x3  }
0x95: {  	_ =	strace s2  }
0x96: {  	s2 =	sld [smem:$0x3FFD];
	_ =	sdelay $0x3  }
0x97: {  	_ =	strace s2  }
0x98: {  	_ =	strace $0x8FFFFFFF  }
0x99: {  	s20 =	sld [smem:$0x3FDB];
	_ =	sdelay $0x1  }
0x9a: {  	s5 =	simm.s32 $_scs_section_size  }
0x9b: {  	s6 =	simm.s32 $_size__tile_overlayer_lowered;
	s7 =	simm.s32 $_tile_overlayer_lowered  }
0x9c: {  	s8 =	simm.s32 $0x1BFF;
	s21 =	sshll.u32 s7, $0x1;
	s5 =	sadd.s32 s5, s20  }
0x9d: {  	s22 =	simm.s32 $0x0;
	s6 =	sshll.u32 s6, $0x1;
	s7 =	sadd.s32 s21, s5  }
0x9e: {  	[timem:s22], [sflag:s8] =	dma.local [hbm:s7], s6  }
0x9f: {  	_ =	swait.ge [sflag:s8], s6  }
0xa0: {  	s6 =	ssub.s32 $0x0, s6;
	[sflag:s8] =	ssyncset.done $0x0  }
0xa1: {  	[sflag:s8] =	ssyncadd.s32 s6;
	_ =	sdelay $0x1  }
0xa2: {  	s23 =	simm.s32 $0x1B8B  }
0xa3: {  	_ =	swait.ge [sflag:s23], $0x1  }
0xa4: {  	[sflag:s23] =	ssyncset.done $0x0  }
0xa5: {  	[sflag:s23] =	ssyncadd.s32 $0xFFFFFFFF  }
0xa6: {  	s6 =	sld [smem:$0x0]  }
0xa7: {  	s7 =	sand.u32 $0xFFFFFFFE, s1  }
0xa8: {  	p0 =	sne.s32 s1, s7  }
0xa9: {  	s7 =	sshll.u32 @p0 s7, $0xE  }
0xaa: {  	s7 =	sadd.s32 @p0 $0x11B8D, s7;
	s8 =	sshll.u32 @p0 s6, $0x11  }
0xab: {  	s7 =	sor.u32 @p0 s8, s7  }
0xac: {  	[sflag:s7] =	ssyncadd.remote.s32 @p0 $0x1;
	_ =	sdelay $0x1  }
0xad: {  	s7 =	simm.s32 @p0 $0x1B8D  }
0xae: {  	_ =	swait.eq @p0 [sflag:s7], $0x1  }
0xaf: {  	[sflag:s7] =	ssyncadd.s32 @p0 $0xFFFFFFFF  }
0xb0: {  	s8 =	sshll.u32 @!p0 s1, $0xE  }
0xb1: {  	s8 =	sor.u32 @!p0 $0x4000, s8;
	s7 =	simm.s32 @!p0 $0x1B8D  }
0xb2: {  	s6 =	sshll.u32 @!p0 s6, $0x11;
	s8 =	sadd.s32 @!p0 $0x11B8D, s8;
	_ =	swait.eq @!p0 [sflag:s7], $0x1  }
0xb3: {  	s6 =	sor.u32 @!p0 s6, s8;
	[sflag:s7] =	ssyncadd.s32 @!p0 $0xFFFFFFFF  }
0xb4: {  	s25 =	simm.s32 $0x1B8E;
	s24 =	sld [smem:$0x3FFE];
	[sflag:s6] =	ssyncadd.remote.s32 @!p0 $0x1  }
0xb5: {  	s26 =	simm.s32 $execute0_lowered;
	[smem:$0x3FD2] =	sst s25  }
0xb6: {  	s7 =	sshll.u32 s26, $0x1;
	_ =	strace $0x80000049;
	[dreg:$0x1] =	wrdreg $0xFFFFFFFF  }
0xb7: {  	s28 =	simm.s32 $_size_execute0_lowered;
	s5 =	sadd.s32 s5, s7;
	[dreg:$0x0] =	wrdreg $0x0  }
0xb8: {  	s7 =	sshll.u32 s28, $0x1;
	[dreg:$0x2] =	wrdreg s5  }
0xb9: {  	[dreg:$0x3] =	wrdreg s7  }
0xba: {  	[dreg:$0x4] =	wrdreg $0xC0  }
0xbb: {  	_ =	task [dreg:s22], $0x5FFFF  }
0xbc: {  	[dreg:$0x1] =	wrdreg $0xFFFFFFFF  }
0xbd: {  	[dreg:$0x0] =	wrdreg $0x60  }
0xbe: {  	[dreg:$0x2] =	wrdreg s4  }
0xbf: {  	[dreg:$0x3] =	wrdreg s24  }
0xc0: {  	[dreg:$0x4] =	wrdreg s18  }
0xc1: {  	[dreg:$0x5] =	wrdreg $0xA  }
0xc2: {  	_ =	task.clear_ibuf [dreg:s22], $0x6FFFF;
	_ =	strace $0x90000049  }
0xc3: {  	s29 =	simm.s32 $0xA;
	_ =	strace $0x8000004B  }
0xc4: {  	_ =	swait.ge [sflag:s29], $0x1  }
0xc5: {  	[sflag:s29] =	ssyncadd.s32 $0xFFFFFFFF  }
0xc6: {  	_ =	strace $0x9000004B  }
0xc7: {  	_ =	sfence  }
0xc8: {  	s30 =	sld [smem:$0x0];
	_ =	sdelay $0x2  }
0xc9: {  	s31 =	sshll.u32 s1, $0xD;
	s1 =	sshrl.u32 s1, $0x2  }
0xca: {  	s4 =	sand.u32 $0x4000, s31;
	s1 =	sadd.s32 s1, s30  }
0xcb: {  	s0 =	sor.u32 s4, s0;
	s1 =	sshll.u32 s1, $0x11  }
0xcc: {  	s0 =	sor.u32 s1, s0  }
0xcd: {  	s0 =	sadd.s32 $0x8F2B, s0  }
0xce: {  	[sflag:s0] =	ssyncadd.remote.s32 $0x1  }
0xcf: {  	_ =	sfence.sel $0xFFFF  }
0xd0: {  	[dreg:$0x0] =	wrdreg $0xFFFFFFFF;
	(pc) =	sbr.abs _section_cstart, $3  }
0xd1: {  	[dreg:$0x1] =	wrdreg $0xFFFFFFFF  }
0xd2: {  	_ =	task.clear_ibuf [dreg:s22], $0x2FFFF;
	_ =	strace $0x9FFFFFFF  }
0xd3: {  	(tm) =	ssettm $0x7FFFFFFF  }
tec
execute0_lowered:
.L_overlay_start_1:
0x0: {  	(tag) =	ssettag $0x1  }
0x1: {  	s1 =	rddreg [dreg:$0x0]  }
0x2: {  	s2 =	srdreg.scid;
	s5 =	rddreg [dreg:$0x1]  }
0x3: {  	s0 =	stileid.u32;
	s9 =	rddreg [dreg:$0x2]  }
0x4: {  	s3 =	simm.s32 $0x0;
	s8 =	sand.u32 $0x1, s2;
	s4 =	smul.u32 $0x1900, s0  }
0x5: {  	s2 =	rddreg [dreg:$0x3];
	s10 =	sshrl.u32 s0, $0x3;
	s25 =	sshll.u32 s0, $0x3  }
0x6: {  	[smem:$0x7FF] =	sst s3;
	s12 =	sadd.s32 $0x40000, s5;
	s14 =	sadd.s32 $0x70E00, s5  }
0x7: {  	s28 =	sshll.u32 s0, $0xA;
	s15 =	sadd.s32 $0xA1C00, s5;
	s31 =	smul.u32 $0x19000, s0  }
0x8: {  	s6 =	smul.u32 $0xC80, s8;
	s7 =	sshll.u32 s8, $0x1;
	_ =	strace $0x8000004A  }
0x9: {  	s13 =	ssub.s32 $0x2, s8;
	s8 =	smul.u32 $0xC800, s8;
	s10 =	sor.u32 s10, s7  }
0xa: {  	s7 =	sand.u32 $0x1C00, s28;
	s16 =	sshrl.u32 s13, $0x1;
	s9 =	sadd.s32 s31, s9  }
0xb: {  	s4 =	sadd.s32 s6, s4;
	s24 =	sshll.u32 s10, $0x7;
	s7 =	sadd.s32 s7, s5  }
0xc: {  	s13 =	ssub.s32 s13, s16;
	s29 =	sshll.u32 s10, $0xD;
	p0 =	sgt.s32 s10, $0x1  }
0xd: {  	s8 =	sadd.s32 s8, s9;
	s16 =	simm.s32 $0x0;
	s4 =	sadd.s32 $0x19000, s4  }
0xe: {  	s6 =	sor.u32 s25, s24;
	s30 =	sadd.s32 s29, s7;
	p1 =	seq.s32 @p0 s10, $0x2  }
0xf: {  	s7 =	smax.u32 s13, $0x1;
	s13 =	simm.s32 $0x4080;
	s4 =	sshrl.u32 s4, $0x3  }
0x10: {  	s26 =	sor.u32 $0x40, s6;
	p1 =	por !p1, !p0;
	s11 =	sadd.s32 s4, s5  }
0x11: {  	s6 =	sadd.s32 s26, s5;
	s4 =	sadd.s32 $0xF200, s5;
	s14 =	smov.u32 @p1 s15  }
0x12: {  	p1 =	seq.s32 @!p0 s10, $0x0;
	s10 =	simm.s32 $0x2;
	s15 =	simm.s32 $0x4100  }
0x13: {  	s5 =	sadd.s32 $0x8C00, s6;
	s6 =	sadd.s32 $0x26AA00, s30;
	p1 =	por !p1, p0  }
0x14: {  	s9 =	sadd.s32 $0x8E00, s11;
	s11 =	simm.s32 $0x80;
	s4 =	smov.u32 @p1 s12  }
0x15: {  	s12 =	simm.s32 $0x1;
	s4 =	smov.u32 @p0 s14;
	s14 =	simm.s32 $0x40  }
.LBB2_1:
0x16: {  	s17 =	sadd.s32 $0x0, s9  }
0x17: {  	[tilespmem:s3], [sflag:$0x2] =	stream.linear.gather [hbm4b:s17+s3], $0x80, $0x38;
	[tilespmem:$0x6100] =	vst v63  }
0x18: {  	_ =	swait.ge [sflag:s10], $0x80  }
0x19: {  	[sflag:s10] =	ssyncset.done $0x0  }
0x1a: {  	[sflag:s10] =	ssyncadd.s32 $0xFFFFFF80  }
0x1b: {  	[tilespmem:s11], [sflag:$0x1] =	stream.indirect.gather [hbm4b:s1+s11], $0x80, s3, s11, $0xb8;
	[tilespmem:$0x6100] =	vst v63  }
0x1c: {  	_ =	swait.ge [sflag:s12], $0x4000  }
0x1d: {  	[sflag:s12] =	ssyncset.done $0x0  }
0x1e: {  	[sflag:s12] =	ssyncadd.s32 $0xFFFFC000  }
0x1f: {  	[hbm4b:s8+s3] =	stream.linear.scatter [tilespmem:s11], [sflag:$0x2], $0x4000, $0x38;
	[tilespmem:$0x6100] =	vst v63  }
0x20: {  	s18 =	simm.s32 $0x10;
	_ =	swait.ge [sflag:s10], $0x4000  }
0x21: {  	s19 =	simm.s32 $0x20;
	s17 =	sadd.s32 $0x800, s8;
	[sflag:s10] =	ssyncset.done $0x0  }
.LBB2_2:
0x22: {  	s20 =	sadd.s32 s18, s9  }
0x23: {  	[sflag:s10] =	ssyncadd.s32 $0xFFFFC000;
	s18 =	smov.u32 s19;
	s21 =	sadd.s32 $0x10, s19  }
0x24: {  	[tilespmem:s3], [sflag:$0x2] =	stream.linear.gather [hbm4b:s20+s3], $0x80, $0x38;
	[tilespmem:$0x6100] =	vst v63  }
0x25: {  	p0 =	sne.s32 s19, $0x180;
	_ =	swait.ge [sflag:s10], $0x80  }
0x26: {  	[sflag:s10] =	ssyncset.done $0x0  }
0x27: {  	[sflag:s10] =	ssyncadd.s32 $0xFFFFFF80  }
0x28: {  	[tilespmem:s11], [sflag:$0x1] =	stream.indirect.gather [hbm4b:s1+s11], $0x80, s3, s11, $0xb8;
	[tilespmem:$0x6100] =	vst v63  }
0x29: {  	_ =	swait.ge [sflag:s12], $0x4000  }
.Ltmp0:
0x2a: {  	[sflag:s12] =	ssyncset.done $0x0;
	(pc) =	sbr.rel @p0 .LBB2_2-.Ltmp0, $4  }
0x2b: {  	[sflag:s12] =	ssyncadd.s32 $0xFFFFC000  }
0x2c: {  	[hbm4b:s17+s3] =	stream.linear.scatter [tilespmem:s11], [sflag:$0x2], $0x4000, $0x38;
	[tilespmem:$0x6100] =	vst v63  }
0x2d: {  	_ =	swait.ge [sflag:s10], $0x4000  }
0x2e: {  	s19 =	smov.u32 s21;
	s17 =	sadd.s32 $0x800, s17;
	[sflag:s10] =	ssyncset.done $0x0  }
0x2f: {  	s18 =	sadd.s32 s18, s9;
	[sflag:s10] =	ssyncadd.s32 $0xFFFFC000  }
0x30: {  	[tilespmem:s3], [sflag:$0x2] =	stream.linear.gather [hbm4b:s18+s3], $0x80, $0x38;
	[tilespmem:$0x6100] =	vst v63  }
0x31: {  	_ =	swait.ge [sflag:s10], $0x80  }
0x32: {  	[sflag:s10] =	ssyncset.done $0x0  }
0x33: {  	[sflag:s10] =	ssyncadd.s32 $0xFFFFFF80  }
0x34: {  	[tilespmem:s11], [sflag:$0x1] =	stream.indirect.gather [hbm4b:s1+s11], $0x80, s3, s11, $0xb8;
	[tilespmem:$0x6100] =	vst v63  }
0x35: {  	_ =	swait.ge [sflag:s12], $0x4000  }
0x36: {  	[sflag:s12] =	ssyncset.done $0x0  }
0x37: {  	[sflag:s12] =	ssyncadd.s32 $0xFFFFC000  }
0x38: {  	[hbm4b:s17+s3] =	stream.linear.scatter [tilespmem:s11], [sflag:$0x2], $0x4000, $0x38;
	[tilespmem:$0x6100] =	vst v63  }
0x39: {  	_ =	swait.ge [sflag:s10], $0x4000  }
0x3a: {  	[sflag:s10] =	ssyncset.done $0x0  }
0x3b: {  	[sflag:s10] =	ssyncadd.s32 $0xFFFFC000  }
0x3c: {  	[tilespmem:s13], [sflag:$0x2] =	stream.linear.gather [hbm4b:s5+s3], $0x40, $0x38;
	[tilespmem:$0x6100] =	vst v63  }
0x3d: {  	_ =	swait.ge [sflag:s10], $0x40  }
0x3e: {  	[sflag:s10] =	ssyncset.done $0x0  }
0x3f: {  	[sflag:s10] =	ssyncadd.s32 $0xFFFFFFC0  }
0x40: {  	[tilespmem:s15], [sflag:$0x1] =	stream.indirect.gather [hbm4b:s4+s14], $0x80, s13, s14, $0xb8;
	[tilespmem:$0x6100] =	vst v63  }
0x41: {  	s16 =	sadd.s32 $0x1, s16;
	_ =	swait.ge [sflag:s12], $0x2000  }
0x42: {  	p0 =	sne.s32 s16, s7;
	[sflag:s12] =	ssyncset.done $0x0  }
.Ltmp1:
0x43: {  	[sflag:s12] =	ssyncadd.s32 $0xFFFFE000;
	(pc) =	sbr.rel @p0 .LBB2_1-.Ltmp1, $4  }
0x44: {  	[hbm4b:s6+s3] =	stream.linear.scatter [tilespmem:s15], [sflag:$0x2], $0x2000, $0x38;
	[tilespmem:$0x6100] =	vst v63  }
0x45: {  	_ =	swait.ge [sflag:s10], $0x2000  }
0x46: {  	[sflag:s10] =	ssyncset.done $0x0  }
0x47: {  	[sflag:s10] =	ssyncadd.s32 $0xFFFFE000  }
0x48: {  	_ =	sfence.sel $0x180000  }
0x49: {  	[bflag:$0x0] =	sbarrier.arrive $0xFFFF  }
0x4a: {  	p0 =	sne.s32 s0, $0x0;
	_ =	strace $0x9000004A  }
0x4b: {  	s0 =	sadd.s32 @!p0 $0x100000, s2;
	[bflag:$0x2] =	sbarrier.arrive $0xFFFF  }
0x4c: {  	[sflag:s0] =	ssyncadd.tile.s32 @!p0 $0x1;
	_ =	shalt  }
.Lfunc_end2:
_tile_overlayer_lowered:
.L_overlay_start_2:
0x4d: {  	(tag) =	ssettag $0x2  }
0x4e: {  	s0 =	rddreg [dreg:$0x0];
	s2 =	stileid.u32  }
0x4f: {  	s1 =	rddreg [dreg:$0x1];
	p0 =	sne.s32 s2, $0x0  }
0x50: {  	s3 =	rddreg [dreg:$0x2];
	[bflag:$0x3] =	sbarrier.arrive $0xFFFF;
	s2 =	simm.s32 @!p0 $0x1C02  }
0x51: {  	[timem:s3], [sflag:s2] =	dma.local @!p0 [hbm:s0], s1  }
0x52: {  	s0 =	simm.s32 @!p0 $0x2  }
0x53: {  	_ =	swait.ge @!p0 [sflag:s0], s1  }
0x54: {  	s1 =	ssub.s32 @!p0 $0x0, s1;
	[sflag:s0] =	ssyncset.done @!p0 $0x0  }
0x55: {  	[sflag:s0] =	ssyncadd.s32 @!p0 s1  }
0x56: {  	[bflag:$0x3] =	sbarrier.arrive $0xFFFF  }
0x57: {  	_ =	shalt  }

</sc_bundles>
